<compile_context>
chip_gen: v7x
topology: tpu7x:2x2x1
jax: 0.10.2.dev20260603
libtpu: 0.0.44.dev20260713+nightly
codegen_flags: <defaults>
</compile_context>

<pallas_src>
import functools

import jax
import jax.numpy as jnp
from jax import lax
from jax.experimental import pallas as pl
from jax.experimental.pallas import tpu as pltpu
from jax.experimental.pallas import tpu_sc as plsc

_NE = 8192
_ED = 64
_NTOK = 18432
_T = 1024
_C = 1024
_GRID = _NTOK // _T
_LANES = 128

_NC = 2
_NS = 16
_NW = _NC * _NS
_BPW = _NTOK // _NW
_CHUNK = 96
_NCH = _BPW // _CHUNK


_XCHUNKS = (4096, 4096)


def _dist_argmin_body(x_ref, rn_ref, cn_ref, cb_ref, cbbf_ref, idx_ref, dsum_ref):
    i = pl.program_id(0)
    x_t = x_ref[...]
    rn_t = rn_ref[...]
    x2_t = (2.0 * x_t).astype(jnp.bfloat16)
    acc_v = jnp.full((_T, 1), jnp.inf, jnp.float32)
    acc_vt = jnp.zeros((_T, 1), jnp.float32)
    acc_i = jnp.zeros((_T, 1), jnp.int32)
    lane = lax.broadcasted_iota(jnp.int32, (_T, _LANES), 1)
    c0 = 0
    for clen in _XCHUNKS:
        mm = lax.dot_general(
            x2_t, cbbf_ref[c0:c0 + clen, :],
            (((1,), (1,)), ((), ())),
            preferred_element_type=jnp.float32,
        )
        d = (rn_t + cn_ref[:, c0:c0 + clen]) - mm
        best_val = jnp.full((_T, _LANES), jnp.inf, jnp.float32)
        best_grp = jnp.zeros((_T, _LANES), jnp.int32)
        for g in range(clen // _LANES):
            dv = d[:, g * _LANES:(g + 1) * _LANES]
            lt = dv < best_val
            best_grp = jnp.where(lt, g, best_grp)
            best_val = jnp.where(lt, dv, best_val)
        minval = jnp.min(best_val, axis=1, keepdims=True)
        code = c0 + best_grp * _LANES + lane
        cand = jnp.where(best_val == minval, code, jnp.int32(2 ** 30))
        cidx = jnp.min(cand, axis=1, keepdims=True)
        lt = minval < acc_v
        eq = minval == acc_v
        take = lt | (eq & (cidx < acc_i))
        acc_i = jnp.where(take, cidx, acc_i)
        acc_vt = jnp.where(lt, minval, acc_vt)
        acc_v = jnp.where(
            lt, minval.astype(jnp.bfloat16).astype(jnp.float32), acc_v)
        c0 += clen
    idx_ref[0, 0, :] = acc_i[:, 0]

    @pl.when(i == 0)
    def _():
        dsum_ref[...] = jnp.zeros((1, 1), jnp.float32)

    dsum_ref[...] += jnp.sum(acc_vt, keepdims=True)


def _dist_argmin(latent, rn2, cn2, cb, interpret=False):
    return pl.pallas_call(
        _dist_argmin_body,
        grid=(_GRID,),
        in_specs=[
            pl.BlockSpec((_T, _ED), lambda i: (i, 0)),
            pl.BlockSpec((_T, 1), lambda i: (i, 0)),
            pl.BlockSpec((1, _NE), lambda i: (0, 0)),
            pl.BlockSpec((_NE, _ED), lambda i: (0, 0)),
            pl.BlockSpec((_NE, _ED), lambda i: (0, 0)),
        ],
        out_specs=[
            pl.BlockSpec((1, 1, _T), lambda i: (i, 0, 0)),
            pl.BlockSpec((1, 1), lambda i: (0, 0)),
        ],
        out_shape=[
            jax.ShapeDtypeStruct((_GRID, 1, _T), jnp.int32),
            jax.ShapeDtypeStruct((1, 1), jnp.float32),
        ],
        interpret=interpret,
    )(latent, rn2, cn2, cb, cb.astype(jnp.bfloat16))


def _sc_gather(cb, idx):
    idx2 = idx.reshape(_NW, _NCH, _CHUNK)
    mesh = plsc.VectorSubcoreMesh(core_axis_name="c", subcore_axis_name="s")

    @functools.partial(
        pl.kernel,
        out_type=jax.ShapeDtypeStruct((_NTOK, _ED), jnp.float32),
        mesh=mesh,
        compiler_params=pltpu.CompilerParams(use_tc_tiling_on_sc=False),
        scratch_types=[
            pltpu.VMEM((_NCH, _CHUNK), jnp.int32),
            pltpu.VMEM((_BPW, _ED), jnp.float32),
            pltpu.SemaphoreType.DMA,
        ],
    )
    def gk(cb_hbm, idx_hbm, out_hbm, idx_v, rows_v, sem):
        wid = lax.axis_index("s") * _NC + lax.axis_index("c")
        pltpu.sync_copy(idx_hbm.at[wid], idx_v)
        cps = [
            pltpu.async_copy(
                cb_hbm.at[idx_v.at[c]],
                rows_v.at[pl.ds(c * _CHUNK, _CHUNK)],
                sem,
            )
            for c in range(_NCH)
        ]
        for cp in cps:
            cp.wait()
        pltpu.sync_copy(rows_v, out_hbm.at[pl.ds(wid * _BPW, _BPW)])

    return gk(cb, idx2)


def kernel(x, codebook):
    latent = x.reshape(-1, _ED)
    rn = jnp.sum(latent ** 2, axis=1)
    cn = jnp.sum(codebook ** 2, axis=1)
    idx3, dsum = _dist_argmin(
        latent, rn.reshape(-1, 1), cn.reshape(1, -1), codebook)
    idx = idx3.reshape(-1)
    x_q = _sc_gather(codebook, idx).reshape(x.shape)
    loss = (dsum[0, 0] / jnp.float32(_NTOK * _ED)) * jnp.float32(1.25)
    x_q_st = x + lax.stop_gradient(x_q - x)
    return (x_q_st, loss, idx.reshape(x.shape[:-1]))

# --- scband reference (transcript-rebuilt; emitter-appended) ---
"""Pipeline reference for scband-adaptive-hierarchical-quantizer-13262859010400 (READ-ONLY COPY).

The authoritative reference and input builder live on the scoring server;
editing this copy changes nothing except your own understanding.
"""

import jax, jax.numpy as jnp
import numpy as np

N_E = 8192
E_DIM = 64
BETA = 0.25


def setup_inputs(seed: int = 0) -> dict:
    key = jax.random.key(seed)
    k1, k2 = jax.random.split(key)
    x = jax.random.normal(k1, (32, 576, E_DIM), dtype=jnp.float32)
    # embedding initialized uniform(-1/n_e, 1/n_e) as in the torch module
    codebook = jax.random.uniform(k2, (N_E, E_DIM), minval=-1.0 / N_E, maxval=1.0 / N_E, dtype=jnp.float32)
    return {"x": x, "codebook": codebook}


def reference(x, codebook):
    # VectorQuantizer.forward with sk_epsilon <= 0 (argmin nearest-neighbor path)
    latent = x.reshape(-1, E_DIM)
    d = (jnp.sum(latent ** 2, axis=1, keepdims=True)
         + jnp.sum(codebook ** 2, axis=1)[None, :]
         - 2.0 * latent @ codebook.T)
    indices = jnp.argmin(d, axis=-1)
    x_q = jnp.take(codebook, indices, axis=0).reshape(x.shape)
    commitment_loss = jnp.mean((jax.lax.stop_gradient(x_q) - x) ** 2)
    codebook_loss = jnp.mean((x_q - jax.lax.stop_gradient(x)) ** 2)
    loss = codebook_loss + BETA * commitment_loss
    x_q_st = x + jax.lax.stop_gradient(x_q - x)
    idx = indices.reshape(x.shape[:-1])
    return (x_q_st, loss, idx)

if __name__ == "__main__":
    import jax
    _d = setup_inputs()
    print(jax.jit(kernel)(*tuple(_d.values())))

</pallas_src>

<mosaic_0001>
#map = affine_map<(d0, d1) -> (0, 0)>
#map1 = affine_map<(d0, d1) -> (0, 0, 0)>
module attributes {stable_mosaic.version = 14 : i64} {
  func.func @gk(%arg0: i32, %arg1: i32, %arg2: memref<8192x64xf32, #tpu.memory_space<hbm>>, %arg3: memref<32x6x96xi32, #tpu.memory_space<hbm>>, %arg4: memref<18432x64xf32, #tpu.memory_space<hbm>>, %arg5: memref<6x96xi32, #tpu.memory_space<vmem>>, %arg6: memref<576x64xf32, #tpu.memory_space<vmem>>, %arg7: memref<!tpu.dma_semaphore, #tpu.memory_space<semaphore_mem>>) attributes {dimension_semantics = [#tpu.dimension_semantics<core_parallel>, #tpu.dimension_semantics<subcore_parallel>], iteration_bounds = array<i64: 2, 16>, scalar_prefetch = 0 : i64, scratch_operands = 3 : i64, tpu.core_type = #tpu.core_type<sc_vector_subcore>, window_params = [{transform_indices = #map}, {transform_indices = #map1}, {transform_indices = #map}]} {
    %mul3A = arith.constant 2 : i32
    %mul3A_0 = arith.muli %arg1, %mul3A : i32
    %add3A = arith.addi %mul3A_0, %arg0 : i32
    "tpu.region"() ({
      %run_scoped3A = tpu.sem_alloc : memref<!tpu.dma_semaphore, #tpu.memory_space<semaphore_mem>>
      %dma_start3A_121 = arith.constant 0 : i32
      %dma_start3A_122 = arith.constant 0 : i32
      %dma_start3A_123 = tpu.memref_slice %arg3[%add3A, %dma_start3A_121, %dma_start3A_122] : memref<32x6x96xi32, #tpu.memory_space<hbm>> -> memref<1x6x96xi32, #tpu.memory_space<hbm>>
      %dma_start3A_124 = tpu.memref_squeeze %dma_start3A_123 : memref<1x6x96xi32, #tpu.memory_space<hbm>> -> memref<6x96xi32, #tpu.memory_space<hbm>>
      %dma_start3A_125 = arith.constant 0 : i32
      %dma_start3A_126 = arith.constant 0 : i32
      %dma_start3A_127 = tpu.memref_slice %arg3[%add3A, %dma_start3A_125, %dma_start3A_126] : memref<32x6x96xi32, #tpu.memory_space<hbm>> -> memref<1x6x96xi32, #tpu.memory_space<hbm>>
      %dma_start3A_128 = tpu.memref_squeeze %dma_start3A_127 : memref<1x6x96xi32, #tpu.memory_space<hbm>> -> memref<6x96xi32, #tpu.memory_space<hbm>>
      tpu.enqueue_dma source(%dma_start3A_128 : memref<6x96xi32, #tpu.memory_space<hbm>>) target(%arg5 : memref<6x96xi32, #tpu.memory_space<vmem>>) target_semaphore(%run_scoped3A : memref<!tpu.dma_semaphore, #tpu.memory_space<semaphore_mem>>)
      %dma_wait3A_129 = arith.constant 0 : i32
      %dma_wait3A_130 = arith.constant 0 : i32
      %dma_wait3A_131 = tpu.memref_slice %arg3[%add3A, %dma_wait3A_129, %dma_wait3A_130] : memref<32x6x96xi32, #tpu.memory_space<hbm>> -> memref<1x6x96xi32, #tpu.memory_space<hbm>>
      %dma_wait3A_132 = tpu.memref_squeeze %dma_wait3A_131 : memref<1x6x96xi32, #tpu.memory_space<hbm>> -> memref<6x96xi32, #tpu.memory_space<hbm>>
      %dma_wait3A_133 = arith.constant 0 : i32
      %dma_wait3A_134 = arith.constant 0 : i32
      %dma_wait3A_135 = tpu.memref_slice %arg3[%add3A, %dma_wait3A_133, %dma_wait3A_134] : memref<32x6x96xi32, #tpu.memory_space<hbm>> -> memref<1x6x96xi32, #tpu.memory_space<hbm>>
      %dma_wait3A_136 = tpu.memref_squeeze %dma_wait3A_135 : memref<1x6x96xi32, #tpu.memory_space<hbm>> -> memref<6x96xi32, #tpu.memory_space<hbm>>
      tpu.wait_dma2 semaphore(%run_scoped3A : memref<!tpu.dma_semaphore, #tpu.memory_space<semaphore_mem>>) src(%dma_wait3A_136 : memref<6x96xi32, #tpu.memory_space<hbm>>) dst(%arg5 : memref<6x96xi32, #tpu.memory_space<vmem>>)
      tpu.yield
    }) : () -> ()
    %dma_start3A = arith.constant 0 : i32
    %dma_start3A_1 = arith.constant 0 : i32
    %dma_start3A_2 = arith.constant 0 : i32
    %dma_start3A_3 = tpu.memref_slice %arg6[%dma_start3A_1, %dma_start3A_2] : memref<576x64xf32, #tpu.memory_space<vmem>> -> memref<96x64xf32, #tpu.memory_space<vmem>>
    %dma_start3A_4 = arith.constant 0 : i32
    %dma_start3A_5 = tpu.memref_slice %arg5[%dma_start3A, %dma_start3A_4] : memref<6x96xi32, #tpu.memory_space<vmem>> -> memref<1x96xi32, #tpu.memory_space<vmem>>
    %dma_start3A_6 = tpu.memref_squeeze %dma_start3A_5 : memref<1x96xi32, #tpu.memory_space<vmem>> -> memref<96xi32, #tpu.memory_space<vmem>>
    %dma_start3A_7 = arith.constant 0 : i32
    %dma_start3A_8 = arith.constant 0 : i32
    %dma_start3A_9 = tpu.memref_slice %arg2[%dma_start3A_7, %dma_start3A_8] : memref<8192x64xf32, #tpu.memory_space<hbm>> -> memref<8192x64xf32, #tpu.memory_space<hbm>>
    tpu.enqueue_indirect_dma source(%dma_start3A_9 : memref<8192x64xf32, #tpu.memory_space<hbm>>) target(%dma_start3A_3 : memref<96x64xf32, #tpu.memory_space<vmem>>) offsets(%dma_start3A_6 : memref<96xi32, #tpu.memory_space<vmem>>) semaphore(%arg7 : memref<!tpu.dma_semaphore, #tpu.memory_space<semaphore_mem>>)
    %dma_start3A_10 = arith.constant 1 : i32
    %dma_start3A_11 = arith.constant 96 : i32
    %dma_start3A_12 = arith.constant 0 : i32
    %dma_start3A_13 = tpu.memref_slice %arg6[%dma_start3A_11, %dma_start3A_12] : memref<576x64xf32, #tpu.memory_space<vmem>> -> memref<96x64xf32, #tpu.memory_space<vmem>>
    %dma_start3A_14 = arith.constant 0 : i32
    %dma_start3A_15 = tpu.memref_slice %arg5[%dma_start3A_10, %dma_start3A_14] : memref<6x96xi32, #tpu.memory_space<vmem>> -> memref<1x96xi32, #tpu.memory_space<vmem>>
    %dma_start3A_16 = tpu.memref_squeeze %dma_start3A_15 : memref<1x96xi32, #tpu.memory_space<vmem>> -> memref<96xi32, #tpu.memory_space<vmem>>
    %dma_start3A_17 = arith.constant 0 : i32
    %dma_start3A_18 = arith.constant 0 : i32
    %dma_start3A_19 = tpu.memref_slice %arg2[%dma_start3A_17, %dma_start3A_18] : memref<8192x64xf32, #tpu.memory_space<hbm>> -> memref<8192x64xf32, #tpu.memory_space<hbm>>
    tpu.enqueue_indirect_dma source(%dma_start3A_19 : memref<8192x64xf32, #tpu.memory_space<hbm>>) target(%dma_start3A_13 : memref<96x64xf32, #tpu.memory_space<vmem>>) offsets(%dma_start3A_16 : memref<96xi32, #tpu.memory_space<vmem>>) semaphore(%arg7 : memref<!tpu.dma_semaphore, #tpu.memory_space<semaphore_mem>>)
    %dma_start3A_20 = arith.constant 2 : i32
    %dma_start3A_21 = arith.constant 192 : i32
    %dma_start3A_22 = arith.constant 0 : i32
    %dma_start3A_23 = tpu.memref_slice %arg6[%dma_start3A_21, %dma_start3A_22] : memref<576x64xf32, #tpu.memory_space<vmem>> -> memref<96x64xf32, #tpu.memory_space<vmem>>
    %dma_start3A_24 = arith.constant 0 : i32
    %dma_start3A_25 = tpu.memref_slice %arg5[%dma_start3A_20, %dma_start3A_24] : memref<6x96xi32, #tpu.memory_space<vmem>> -> memref<1x96xi32, #tpu.memory_space<vmem>>
    %dma_start3A_26 = tpu.memref_squeeze %dma_start3A_25 : memref<1x96xi32, #tpu.memory_space<vmem>> -> memref<96xi32, #tpu.memory_space<vmem>>
    %dma_start3A_27 = arith.constant 0 : i32
    %dma_start3A_28 = arith.constant 0 : i32
    %dma_start3A_29 = tpu.memref_slice %arg2[%dma_start3A_27, %dma_start3A_28] : memref<8192x64xf32, #tpu.memory_space<hbm>> -> memref<8192x64xf32, #tpu.memory_space<hbm>>
    tpu.enqueue_indirect_dma source(%dma_start3A_29 : memref<8192x64xf32, #tpu.memory_space<hbm>>) target(%dma_start3A_23 : memref<96x64xf32, #tpu.memory_space<vmem>>) offsets(%dma_start3A_26 : memref<96xi32, #tpu.memory_space<vmem>>) semaphore(%arg7 : memref<!tpu.dma_semaphore, #tpu.memory_space<semaphore_mem>>)
    %dma_start3A_30 = arith.constant 3 : i32
    %dma_start3A_31 = arith.constant 288 : i32
    %dma_start3A_32 = arith.constant 0 : i32
    %dma_start3A_33 = tpu.memref_slice %arg6[%dma_start3A_31, %dma_start3A_32] : memref<576x64xf32, #tpu.memory_space<vmem>> -> memref<96x64xf32, #tpu.memory_space<vmem>>
    %dma_start3A_34 = arith.constant 0 : i32
    %dma_start3A_35 = tpu.memref_slice %arg5[%dma_start3A_30, %dma_start3A_34] : memref<6x96xi32, #tpu.memory_space<vmem>> -> memref<1x96xi32, #tpu.memory_space<vmem>>
    %dma_start3A_36 = tpu.memref_squeeze %dma_start3A_35 : memref<1x96xi32, #tpu.memory_space<vmem>> -> memref<96xi32, #tpu.memory_space<vmem>>
    %dma_start3A_37 = arith.constant 0 : i32
    %dma_start3A_38 = arith.constant 0 : i32
    %dma_start3A_39 = tpu.memref_slice %arg2[%dma_start3A_37, %dma_start3A_38] : memref<8192x64xf32, #tpu.memory_space<hbm>> -> memref<8192x64xf32, #tpu.memory_space<hbm>>
    tpu.enqueue_indirect_dma source(%dma_start3A_39 : memref<8192x64xf32, #tpu.memory_space<hbm>>) target(%dma_start3A_33 : memref<96x64xf32, #tpu.memory_space<vmem>>) offsets(%dma_start3A_36 : memref<96xi32, #tpu.memory_space<vmem>>) semaphore(%arg7 : memref<!tpu.dma_semaphore, #tpu.memory_space<semaphore_mem>>)
    %dma_start3A_40 = arith.constant 4 : i32
    %dma_start3A_41 = arith.constant 384 : i32
    %dma_start3A_42 = arith.constant 0 : i32
    %dma_start3A_43 = tpu.memref_slice %arg6[%dma_start3A_41, %dma_start3A_42] : memref<576x64xf32, #tpu.memory_space<vmem>> -> memref<96x64xf32, #tpu.memory_space<vmem>>
    %dma_start3A_44 = arith.constant 0 : i32
    %dma_start3A_45 = tpu.memref_slice %arg5[%dma_start3A_40, %dma_start3A_44] : memref<6x96xi32, #tpu.memory_space<vmem>> -> memref<1x96xi32, #tpu.memory_space<vmem>>
    %dma_start3A_46 = tpu.memref_squeeze %dma_start3A_45 : memref<1x96xi32, #tpu.memory_space<vmem>> -> memref<96xi32, #tpu.memory_space<vmem>>
    %dma_start3A_47 = arith.constant 0 : i32
    %dma_start3A_48 = arith.constant 0 : i32
    %dma_start3A_49 = tpu.memref_slice %arg2[%dma_start3A_47, %dma_start3A_48] : memref<8192x64xf32, #tpu.memory_space<hbm>> -> memref<8192x64xf32, #tpu.memory_space<hbm>>
    tpu.enqueue_indirect_dma source(%dma_start3A_49 : memref<8192x64xf32, #tpu.memory_space<hbm>>) target(%dma_start3A_43 : memref<96x64xf32, #tpu.memory_space<vmem>>) offsets(%dma_start3A_46 : memref<96xi32, #tpu.memory_space<vmem>>) semaphore(%arg7 : memref<!tpu.dma_semaphore, #tpu.memory_space<semaphore_mem>>)
    %dma_start3A_50 = arith.constant 5 : i32
    %dma_start3A_51 = arith.constant 480 : i32
    %dma_start3A_52 = arith.constant 0 : i32
    %dma_start3A_53 = tpu.memref_slice %arg6[%dma_start3A_51, %dma_start3A_52] : memref<576x64xf32, #tpu.memory_space<vmem>> -> memref<96x64xf32, #tpu.memory_space<vmem>>
    %dma_start3A_54 = arith.constant 0 : i32
    %dma_start3A_55 = tpu.memref_slice %arg5[%dma_start3A_50, %dma_start3A_54] : memref<6x96xi32, #tpu.memory_space<vmem>> -> memref<1x96xi32, #tpu.memory_space<vmem>>
    %dma_start3A_56 = tpu.memref_squeeze %dma_start3A_55 : memref<1x96xi32, #tpu.memory_space<vmem>> -> memref<96xi32, #tpu.memory_space<vmem>>
    %dma_start3A_57 = arith.constant 0 : i32
    %dma_start3A_58 = arith.constant 0 : i32
    %dma_start3A_59 = tpu.memref_slice %arg2[%dma_start3A_57, %dma_start3A_58] : memref<8192x64xf32, #tpu.memory_space<hbm>> -> memref<8192x64xf32, #tpu.memory_space<hbm>>
    tpu.enqueue_indirect_dma source(%dma_start3A_59 : memref<8192x64xf32, #tpu.memory_space<hbm>>) target(%dma_start3A_53 : memref<96x64xf32, #tpu.memory_space<vmem>>) offsets(%dma_start3A_56 : memref<96xi32, #tpu.memory_space<vmem>>) semaphore(%arg7 : memref<!tpu.dma_semaphore, #tpu.memory_space<semaphore_mem>>)
    %dma_wait3A = arith.constant 0 : i32
    %dma_wait3A_60 = arith.constant 0 : i32
    %dma_wait3A_61 = arith.constant 0 : i32
    %dma_wait3A_62 = tpu.memref_slice %arg6[%dma_wait3A_60, %dma_wait3A_61] : memref<576x64xf32, #tpu.memory_space<vmem>> -> memref<96x64xf32, #tpu.memory_space<vmem>>
    %dma_wait3A_63 = arith.constant 0 : i32
    %dma_wait3A_64 = tpu.memref_slice %arg5[%dma_wait3A, %dma_wait3A_63] : memref<6x96xi32, #tpu.memory_space<vmem>> -> memref<1x96xi32, #tpu.memory_space<vmem>>
    %dma_wait3A_65 = tpu.memref_squeeze %dma_wait3A_64 : memref<1x96xi32, #tpu.memory_space<vmem>> -> memref<96xi32, #tpu.memory_space<vmem>>
    %dma_wait3A_66 = arith.constant 0 : i32
    %dma_wait3A_67 = arith.constant 0 : i32
    %dma_wait3A_68 = tpu.memref_slice %arg2[%dma_wait3A_66, %dma_wait3A_67] : memref<8192x64xf32, #tpu.memory_space<hbm>> -> memref<8192x64xf32, #tpu.memory_space<hbm>>
    tpu.wait_indirect_dma semaphore(%arg7 : memref<!tpu.dma_semaphore, #tpu.memory_space<semaphore_mem>>) src(%dma_wait3A_68 : memref<8192x64xf32, #tpu.memory_space<hbm>>) dst(%dma_wait3A_62 : memref<96x64xf32, #tpu.memory_space<vmem>>)
    %dma_wait3A_69 = arith.constant 1 : i32
    %dma_wait3A_70 = arith.constant 96 : i32
    %dma_wait3A_71 = arith.constant 0 : i32
    %dma_wait3A_72 = tpu.memref_slice %arg6[%dma_wait3A_70, %dma_wait3A_71] : memref<576x64xf32, #tpu.memory_space<vmem>> -> memref<96x64xf32, #tpu.memory_space<vmem>>
    %dma_wait3A_73 = arith.constant 0 : i32
    %dma_wait3A_74 = tpu.memref_slice %arg5[%dma_wait3A_69, %dma_wait3A_73] : memref<6x96xi32, #tpu.memory_space<vmem>> -> memref<1x96xi32, #tpu.memory_space<vmem>>
    %dma_wait3A_75 = tpu.memref_squeeze %dma_wait3A_74 : memref<1x96xi32, #tpu.memory_space<vmem>> -> memref<96xi32, #tpu.memory_space<vmem>>
    %dma_wait3A_76 = arith.constant 0 : i32
    %dma_wait3A_77 = arith.constant 0 : i32
    %dma_wait3A_78 = tpu.memref_slice %arg2[%dma_wait3A_76, %dma_wait3A_77] : memref<8192x64xf32, #tpu.memory_space<hbm>> -> memref<8192x64xf32, #tpu.memory_space<hbm>>
    tpu.wait_indirect_dma semaphore(%arg7 : memref<!tpu.dma_semaphore, #tpu.memory_space<semaphore_mem>>) src(%dma_wait3A_78 : memref<8192x64xf32, #tpu.memory_space<hbm>>) dst(%dma_wait3A_72 : memref<96x64xf32, #tpu.memory_space<vmem>>)
    %dma_wait3A_79 = arith.constant 2 : i32
    %dma_wait3A_80 = arith.constant 192 : i32
    %dma_wait3A_81 = arith.constant 0 : i32
    %dma_wait3A_82 = tpu.memref_slice %arg6[%dma_wait3A_80, %dma_wait3A_81] : memref<576x64xf32, #tpu.memory_space<vmem>> -> memref<96x64xf32, #tpu.memory_space<vmem>>
    %dma_wait3A_83 = arith.constant 0 : i32
    %dma_wait3A_84 = tpu.memref_slice %arg5[%dma_wait3A_79, %dma_wait3A_83] : memref<6x96xi32, #tpu.memory_space<vmem>> -> memref<1x96xi32, #tpu.memory_space<vmem>>
    %dma_wait3A_85 = tpu.memref_squeeze %dma_wait3A_84 : memref<1x96xi32, #tpu.memory_space<vmem>> -> memref<96xi32, #tpu.memory_space<vmem>>
    %dma_wait3A_86 = arith.constant 0 : i32
    %dma_wait3A_87 = arith.constant 0 : i32
    %dma_wait3A_88 = tpu.memref_slice %arg2[%dma_wait3A_86, %dma_wait3A_87] : memref<8192x64xf32, #tpu.memory_space<hbm>> -> memref<8192x64xf32, #tpu.memory_space<hbm>>
    tpu.wait_indirect_dma semaphore(%arg7 : memref<!tpu.dma_semaphore, #tpu.memory_space<semaphore_mem>>) src(%dma_wait3A_88 : memref<8192x64xf32, #tpu.memory_space<hbm>>) dst(%dma_wait3A_82 : memref<96x64xf32, #tpu.memory_space<vmem>>)
    %dma_wait3A_89 = arith.constant 3 : i32
    %dma_wait3A_90 = arith.constant 288 : i32
    %dma_wait3A_91 = arith.constant 0 : i32
    %dma_wait3A_92 = tpu.memref_slice %arg6[%dma_wait3A_90, %dma_wait3A_91] : memref<576x64xf32, #tpu.memory_space<vmem>> -> memref<96x64xf32, #tpu.memory_space<vmem>>
    %dma_wait3A_93 = arith.constant 0 : i32
    %dma_wait3A_94 = tpu.memref_slice %arg5[%dma_wait3A_89, %dma_wait3A_93] : memref<6x96xi32, #tpu.memory_space<vmem>> -> memref<1x96xi32, #tpu.memory_space<vmem>>
    %dma_wait3A_95 = tpu.memref_squeeze %dma_wait3A_94 : memref<1x96xi32, #tpu.memory_space<vmem>> -> memref<96xi32, #tpu.memory_space<vmem>>
    %dma_wait3A_96 = arith.constant 0 : i32
    %dma_wait3A_97 = arith.constant 0 : i32
    %dma_wait3A_98 = tpu.memref_slice %arg2[%dma_wait3A_96, %dma_wait3A_97] : memref<8192x64xf32, #tpu.memory_space<hbm>> -> memref<8192x64xf32, #tpu.memory_space<hbm>>
    tpu.wait_indirect_dma semaphore(%arg7 : memref<!tpu.dma_semaphore, #tpu.memory_space<semaphore_mem>>) src(%dma_wait3A_98 : memref<8192x64xf32, #tpu.memory_space<hbm>>) dst(%dma_wait3A_92 : memref<96x64xf32, #tpu.memory_space<vmem>>)
    %dma_wait3A_99 = arith.constant 4 : i32
    %dma_wait3A_100 = arith.constant 384 : i32
    %dma_wait3A_101 = arith.constant 0 : i32
    %dma_wait3A_102 = tpu.memref_slice %arg6[%dma_wait3A_100, %dma_wait3A_101] : memref<576x64xf32, #tpu.memory_space<vmem>> -> memref<96x64xf32, #tpu.memory_space<vmem>>
    %dma_wait3A_103 = arith.constant 0 : i32
    %dma_wait3A_104 = tpu.memref_slice %arg5[%dma_wait3A_99, %dma_wait3A_103] : memref<6x96xi32, #tpu.memory_space<vmem>> -> memref<1x96xi32, #tpu.memory_space<vmem>>
    %dma_wait3A_105 = tpu.memref_squeeze %dma_wait3A_104 : memref<1x96xi32, #tpu.memory_space<vmem>> -> memref<96xi32, #tpu.memory_space<vmem>>
    %dma_wait3A_106 = arith.constant 0 : i32
    %dma_wait3A_107 = arith.constant 0 : i32
    %dma_wait3A_108 = tpu.memref_slice %arg2[%dma_wait3A_106, %dma_wait3A_107] : memref<8192x64xf32, #tpu.memory_space<hbm>> -> memref<8192x64xf32, #tpu.memory_space<hbm>>
    tpu.wait_indirect_dma semaphore(%arg7 : memref<!tpu.dma_semaphore, #tpu.memory_space<semaphore_mem>>) src(%dma_wait3A_108 : memref<8192x64xf32, #tpu.memory_space<hbm>>) dst(%dma_wait3A_102 : memref<96x64xf32, #tpu.memory_space<vmem>>)
    %dma_wait3A_109 = arith.constant 5 : i32
    %dma_wait3A_110 = arith.constant 480 : i32
    %dma_wait3A_111 = arith.constant 0 : i32
    %dma_wait3A_112 = tpu.memref_slice %arg6[%dma_wait3A_110, %dma_wait3A_111] : memref<576x64xf32, #tpu.memory_space<vmem>> -> memref<96x64xf32, #tpu.memory_space<vmem>>
    %dma_wait3A_113 = arith.constant 0 : i32
    %dma_wait3A_114 = tpu.memref_slice %arg5[%dma_wait3A_109, %dma_wait3A_113] : memref<6x96xi32, #tpu.memory_space<vmem>> -> memref<1x96xi32, #tpu.memory_space<vmem>>
    %dma_wait3A_115 = tpu.memref_squeeze %dma_wait3A_114 : memref<1x96xi32, #tpu.memory_space<vmem>> -> memref<96xi32, #tpu.memory_space<vmem>>
    %dma_wait3A_116 = arith.constant 0 : i32
    %dma_wait3A_117 = arith.constant 0 : i32
    %dma_wait3A_118 = tpu.memref_slice %arg2[%dma_wait3A_116, %dma_wait3A_117] : memref<8192x64xf32, #tpu.memory_space<hbm>> -> memref<8192x64xf32, #tpu.memory_space<hbm>>
    tpu.wait_indirect_dma semaphore(%arg7 : memref<!tpu.dma_semaphore, #tpu.memory_space<semaphore_mem>>) src(%dma_wait3A_118 : memref<8192x64xf32, #tpu.memory_space<hbm>>) dst(%dma_wait3A_112 : memref<96x64xf32, #tpu.memory_space<vmem>>)
    %mul3A_119 = arith.constant 576 : i32
    %mul3A_120 = arith.muli %add3A, %mul3A_119 : i32
    "tpu.region"() ({
      %run_scoped3A = tpu.sem_alloc : memref<!tpu.dma_semaphore, #tpu.memory_space<semaphore_mem>>
      %dma_start3A_121 = arith.constant 0 : i32
      %dma_start3A_122 = tpu.memref_slice %arg4[%mul3A_120, %dma_start3A_121] : memref<18432x64xf32, #tpu.memory_space<hbm>> -> memref<576x64xf32, #tpu.memory_space<hbm>>
      %dma_start3A_123 = arith.constant 0 : i32
      %dma_start3A_124 = tpu.memref_slice %arg4[%mul3A_120, %dma_start3A_123] : memref<18432x64xf32, #tpu.memory_space<hbm>> -> memref<576x64xf32, #tpu.memory_space<hbm>>
      tpu.enqueue_dma source(%arg6 : memref<576x64xf32, #tpu.memory_space<vmem>>) target(%dma_start3A_124 : memref<576x64xf32, #tpu.memory_space<hbm>>) target_semaphore(%run_scoped3A : memref<!tpu.dma_semaphore, #tpu.memory_space<semaphore_mem>>)
      %dma_wait3A_125 = arith.constant 0 : i32
      %dma_wait3A_126 = tpu.memref_slice %arg4[%mul3A_120, %dma_wait3A_125] : memref<18432x64xf32, #tpu.memory_space<hbm>> -> memref<576x64xf32, #tpu.memory_space<hbm>>
      %dma_wait3A_127 = arith.constant 0 : i32
      %dma_wait3A_128 = tpu.memref_slice %arg4[%mul3A_120, %dma_wait3A_127] : memref<18432x64xf32, #tpu.memory_space<hbm>> -> memref<576x64xf32, #tpu.memory_space<hbm>>
      tpu.wait_dma2 semaphore(%run_scoped3A : memref<!tpu.dma_semaphore, #tpu.memory_space<semaphore_mem>>) src(%arg6 : memref<576x64xf32, #tpu.memory_space<vmem>>) dst(%dma_wait3A_128 : memref<576x64xf32, #tpu.memory_space<hbm>>)
      tpu.yield
    }) : () -> ()
    return
  }
}

module attributes {stable_mosaic.version = 14 : i64} {
  func.func @_dist_argmin_body(%arg0: i32, %arg1: memref<1024x64xf32, #tpu.memory_space<vmem>>, %arg2: memref<1024x1xf32, #tpu.memory_space<vmem>>, %arg3: memref<1x8192xf32, #tpu.memory_space<vmem>>, %arg4: memref<8192x64xf32, #tpu.memory_space<vmem>>, %arg5: memref<8192x64xbf16, #tpu.memory_space<vmem>>, %arg6: memref<1x1x1024xi32, #tpu.memory_space<vmem>>, %arg7: memref<1x1xf32, #tpu.memory_space<vmem>>) attributes {dimension_semantics = [#tpu.dimension_semantics<arbitrary>], iteration_bounds = array<i64: 18>, scalar_prefetch = 0 : i64, scratch_operands = 0 : i64, tpu.core_type = #tpu.core_type<tc>, window_params = [{transform_indices = @transform_0, window_bounds = array<i64: 1024, 64>}, {transform_indices = @transform_1, window_bounds = array<i64: 1024, 1>}, {pipeline_mode = #tpu.pipeline_mode<synchronous>, transform_indices = @transform_2, window_bounds = array<i64: 1, 8192>}, {pipeline_mode = #tpu.pipeline_mode<synchronous>, transform_indices = @transform_3, window_bounds = array<i64: 8192, 64>}, {pipeline_mode = #tpu.pipeline_mode<synchronous>, transform_indices = @transform_4, window_bounds = array<i64: 8192, 64>}, {transform_indices = @transform_5, window_bounds = array<i64: 1, 1, 1024>}, {pipeline_mode = #tpu.pipeline_mode<synchronous>, transform_indices = @transform_6, window_bounds = array<i64: 1, 1>}]} {
    %get3A = arith.constant 0 : index
    %get3A_0 = arith.constant 0 : index
    %get3A_1 = vector.load %arg1[%get3A, %get3A_0] : memref<1024x64xf32, #tpu.memory_space<vmem>>, vector<1024x64xf32>
    %get3A_2 = arith.constant 0 : index
    %get3A_3 = arith.constant 0 : index
    %get3A_4 = vector.load %arg2[%get3A_2, %get3A_3] : memref<1024x1xf32, #tpu.memory_space<vmem>>, vector<1024x1xf32>
    %mul3A = arith.constant 2.000000e+00 : f32
    %mul3A_5 = vector.broadcast %mul3A : f32 to vector<1024x64xf32>
    %mul3A_6 = arith.mulf %mul3A_5, %get3A_1 : vector<1024x64xf32>
    %convert_element_type3A = arith.truncf %mul3A_6 : vector<1024x64xf32> to vector<1024x64xbf16>
    %broadcast_in_dim3A = arith.constant 0x7F800000 : f32
    %broadcast_in_dim3A_7 = vector.broadcast %broadcast_in_dim3A : f32 to vector<1024x1xf32>
    %broadcast_in_dim3A_8 = arith.constant 0.000000e+00 : f32
    %broadcast_in_dim3A_9 = vector.broadcast %broadcast_in_dim3A_8 : f32 to vector<1024x1xf32>
    %broadcast_in_dim3A_10 = arith.constant 0 : i32
    %broadcast_in_dim3A_11 = vector.broadcast %broadcast_in_dim3A_10 : i32 to vector<1024x1xi32>
    %iota3A = tpu.iota {dimensions = array<i32: 1>} : vector<1024x128xi32>
    %get3A_12 = arith.constant 0 : index
    %get3A_13 = arith.constant 0 : index
    %get3A_14 = vector.load %arg5[%get3A_12, %get3A_13] : memref<8192x64xbf16, #tpu.memory_space<vmem>>, vector<4096x64xbf16>
    %dot_general3A = arith.constant dense<0.000000e+00> : vector<1024x4096xf32>
    %dot_general3A_15 = tpu.matmul %convert_element_type3A, %get3A_14, %dot_general3A {dimension_numbers = #tpu.dot_dimension_numbers<[1], [1], [0], [0], [0, 0, 1, 0], [], []>, transpose_lhs_hint = false} : vector<1024x64xbf16>, vector<4096x64xbf16>, vector<1024x4096xf32> -> vector<1024x4096xf32>
    %get3A_16 = arith.constant 0 : index
    %get3A_17 = arith.constant 0 : index
    %get3A_18 = vector.load %arg3[%get3A_16, %get3A_17] : memref<1x8192xf32, #tpu.memory_space<vmem>>, vector<1x4096xf32>
    %add3A = vector.broadcast %get3A_4 : vector<1024x1xf32> to vector<1024x4096xf32>
    %add3A_19 = vector.broadcast %get3A_18 : vector<1x4096xf32> to vector<1024x4096xf32>
    %add3A_20 = arith.addf %add3A, %add3A_19 : vector<1024x4096xf32>
    %sub3A = arith.subf %add3A_20, %dot_general3A_15 : vector<1024x4096xf32>
    %broadcast_in_dim3A_21 = arith.constant 0x7F800000 : f32
    %broadcast_in_dim3A_22 = vector.broadcast %broadcast_in_dim3A_21 : f32 to vector<1024x128xf32>
    %broadcast_in_dim3A_23 = arith.constant 0 : i32
    %broadcast_in_dim3A_24 = vector.broadcast %broadcast_in_dim3A_23 : i32 to vector<1024x128xi32>
    %slice3A = vector.extract_strided_slice %sub3A {offsets = [0, 0], sizes = [1024, 128], strides = [1, 1]} : vector<1024x4096xf32> to vector<1024x128xf32>
    %lt3A = arith.cmpf olt, %slice3A, %broadcast_in_dim3A_22 : vector<1024x128xf32>
    %jit3A = arith.constant 0 : i32
    %broadcast_in_dim3A_25 = vector.broadcast %jit3A : i32 to vector<1024x128xi32>
    %select_n3A = arith.select %lt3A, %broadcast_in_dim3A_25, %broadcast_in_dim3A_24 : vector<1024x128xi1>, vector<1024x128xi32>
    %select_n3A_26 = arith.select %lt3A, %slice3A, %broadcast_in_dim3A_22 : vector<1024x128xi1>, vector<1024x128xf32>
    %slice3A_27 = vector.extract_strided_slice %sub3A {offsets = [0, 128], sizes = [1024, 128], strides = [1, 1]} : vector<1024x4096xf32> to vector<1024x128xf32>
    %lt3A_28 = arith.cmpf olt, %slice3A_27, %select_n3A_26 : vector<1024x128xf32>
    %jit3A_29 = arith.constant 1 : i32
    %broadcast_in_dim3A_30 = vector.broadcast %jit3A_29 : i32 to vector<1024x128xi32>
    %select_n3A_31 = arith.select %lt3A_28, %broadcast_in_dim3A_30, %select_n3A : vector<1024x128xi1>, vector<1024x128xi32>
    %select_n3A_32 = arith.select %lt3A_28, %slice3A_27, %select_n3A_26 : vector<1024x128xi1>, vector<1024x128xf32>
    %slice3A_33 = vector.extract_strided_slice %sub3A {offsets = [0, 256], sizes = [1024, 128], strides = [1, 1]} : vector<1024x4096xf32> to vector<1024x128xf32>
    %lt3A_34 = arith.cmpf olt, %slice3A_33, %select_n3A_32 : vector<1024x128xf32>
    %jit3A_35 = arith.constant 2 : i32
    %broadcast_in_dim3A_36 = vector.broadcast %jit3A_35 : i32 to vector<1024x128xi32>
    %select_n3A_37 = arith.select %lt3A_34, %broadcast_in_dim3A_36, %select_n3A_31 : vector<1024x128xi1>, vector<1024x128xi32>
    %select_n3A_38 = arith.select %lt3A_34, %slice3A_33, %select_n3A_32 : vector<1024x128xi1>, vector<1024x128xf32>
    %slice3A_39 = vector.extract_strided_slice %sub3A {offsets = [0, 384], sizes = [1024, 128], strides = [1, 1]} : vector<1024x4096xf32> to vector<1024x128xf32>
    %lt3A_40 = arith.cmpf olt, %slice3A_39, %select_n3A_38 : vector<1024x128xf32>
    %jit3A_41 = arith.constant 3 : i32
    %broadcast_in_dim3A_42 = vector.broadcast %jit3A_41 : i32 to vector<1024x128xi32>
    %select_n3A_43 = arith.select %lt3A_40, %broadcast_in_dim3A_42, %select_n3A_37 : vector<1024x128xi1>, vector<1024x128xi32>
    %select_n3A_44 = arith.select %lt3A_40, %slice3A_39, %select_n3A_38 : vector<1024x128xi1>, vector<1024x128xf32>
    %slice3A_45 = vector.extract_strided_slice %sub3A {offsets = [0, 512], sizes = [1024, 128], strides = [1, 1]} : vector<1024x4096xf32> to vector<1024x128xf32>
    %lt3A_46 = arith.cmpf olt, %slice3A_45, %select_n3A_44 : vector<1024x128xf32>
    %jit3A_47 = arith.constant 4 : i32
    %broadcast_in_dim3A_48 = vector.broadcast %jit3A_47 : i32 to vector<1024x128xi32>
    %select_n3A_49 = arith.select %lt3A_46, %broadcast_in_dim3A_48, %select_n3A_43 : vector<1024x128xi1>, vector<1024x128xi32>
    %select_n3A_50 = arith.select %lt3A_46, %slice3A_45, %select_n3A_44 : vector<1024x128xi1>, vector<1024x128xf32>
    %slice3A_51 = vector.extract_strided_slice %sub3A {offsets = [0, 640], sizes = [1024, 128], strides = [1, 1]} : vector<1024x4096xf32> to vector<1024x128xf32>
    %lt3A_52 = arith.cmpf olt, %slice3A_51, %select_n3A_50 : vector<1024x128xf32>
    %jit3A_53 = arith.constant 5 : i32
    %broadcast_in_dim3A_54 = vector.broadcast %jit3A_53 : i32 to vector<1024x128xi32>
    %select_n3A_55 = arith.select %lt3A_52, %broadcast_in_dim3A_54, %select_n3A_49 : vector<1024x128xi1>, vector<1024x128xi32>
    %select_n3A_56 = arith.select %lt3A_52, %slice3A_51, %select_n3A_50 : vector<1024x128xi1>, vector<1024x128xf32>
    %slice3A_57 = vector.extract_strided_slice %sub3A {offsets = [0, 768], sizes = [1024, 128], strides = [1, 1]} : vector<1024x4096xf32> to vector<1024x128xf32>
    %lt3A_58 = arith.cmpf olt, %slice3A_57, %select_n3A_56 : vector<1024x128xf32>
    %jit3A_59 = arith.constant 6 : i32
    %broadcast_in_dim3A_60 = vector.broadcast %jit3A_59 : i32 to vector<1024x128xi32>
    %select_n3A_61 = arith.select %lt3A_58, %broadcast_in_dim3A_60, %select_n3A_55 : vector<1024x128xi1>, vector<1024x128xi32>
    %select_n3A_62 = arith.select %lt3A_58, %slice3A_57, %select_n3A_56 : vector<1024x128xi1>, vector<1024x128xf32>
    %slice3A_63 = vector.extract_strided_slice %sub3A {offsets = [0, 896], sizes = [1024, 128], strides = [1, 1]} : vector<1024x4096xf32> to vector<1024x128xf32>
    %lt3A_64 = arith.cmpf olt, %slice3A_63, %select_n3A_62 : vector<1024x128xf32>
    %jit3A_65 = arith.constant 7 : i32
    %broadcast_in_dim3A_66 = vector.broadcast %jit3A_65 : i32 to vector<1024x128xi32>
    %select_n3A_67 = arith.select %lt3A_64, %broadcast_in_dim3A_66, %select_n3A_61 : vector<1024x128xi1>, vector<1024x128xi32>
    %select_n3A_68 = arith.select %lt3A_64, %slice3A_63, %select_n3A_62 : vector<1024x128xi1>, vector<1024x128xf32>
    %slice3A_69 = vector.extract_strided_slice %sub3A {offsets = [0, 1024], sizes = [1024, 128], strides = [1, 1]} : vector<1024x4096xf32> to vector<1024x128xf32>
    %lt3A_70 = arith.cmpf olt, %slice3A_69, %select_n3A_68 : vector<1024x128xf32>
    %jit3A_71 = arith.constant 8 : i32
    %broadcast_in_dim3A_72 = vector.broadcast %jit3A_71 : i32 to vector<1024x128xi32>
    %select_n3A_73 = arith.select %lt3A_70, %broadcast_in_dim3A_72, %select_n3A_67 : vector<1024x128xi1>, vector<1024x128xi32>
    %select_n3A_74 = arith.select %lt3A_70, %slice3A_69, %select_n3A_68 : vector<1024x128xi1>, vector<1024x128xf32>
    %slice3A_75 = vector.extract_strided_slice %sub3A {offsets = [0, 1152], sizes = [1024, 128], strides = [1, 1]} : vector<1024x4096xf32> to vector<1024x128xf32>
    %lt3A_76 = arith.cmpf olt, %slice3A_75, %select_n3A_74 : vector<1024x128xf32>
    %jit3A_77 = arith.constant 9 : i32
    %broadcast_in_dim3A_78 = vector.broadcast %jit3A_77 : i32 to vector<1024x128xi32>
    %select_n3A_79 = arith.select %lt3A_76, %broadcast_in_dim3A_78, %select_n3A_73 : vector<1024x128xi1>, vector<1024x128xi32>
    %select_n3A_80 = arith.select %lt3A_76, %slice3A_75, %select_n3A_74 : vector<1024x128xi1>, vector<1024x128xf32>
    %slice3A_81 = vector.extract_strided_slice %sub3A {offsets = [0, 1280], sizes = [1024, 128], strides = [1, 1]} : vector<1024x4096xf32> to vector<1024x128xf32>
    %lt3A_82 = arith.cmpf olt, %slice3A_81, %select_n3A_80 : vector<1024x128xf32>
    %jit3A_83 = arith.constant 10 : i32
    %broadcast_in_dim3A_84 = vector.broadcast %jit3A_83 : i32 to vector<1024x128xi32>
    %select_n3A_85 = arith.select %lt3A_82, %broadcast_in_dim3A_84, %select_n3A_79 : vector<1024x128xi1>, vector<1024x128xi32>
    %select_n3A_86 = arith.select %lt3A_82, %slice3A_81, %select_n3A_80 : vector<1024x128xi1>, vector<1024x128xf32>
    %slice3A_87 = vector.extract_strided_slice %sub3A {offsets = [0, 1408], sizes = [1024, 128], strides = [1, 1]} : vector<1024x4096xf32> to vector<1024x128xf32>
    %lt3A_88 = arith.cmpf olt, %slice3A_87, %select_n3A_86 : vector<1024x128xf32>
    %jit3A_89 = arith.constant 11 : i32
    %broadcast_in_dim3A_90 = vector.broadcast %jit3A_89 : i32 to vector<1024x128xi32>
    %select_n3A_91 = arith.select %lt3A_88, %broadcast_in_dim3A_90, %select_n3A_85 : vector<1024x128xi1>, vector<1024x128xi32>
    %select_n3A_92 = arith.select %lt3A_88, %slice3A_87, %select_n3A_86 : vector<1024x128xi1>, vector<1024x128xf32>
    %slice3A_93 = vector.extract_strided_slice %sub3A {offsets = [0, 1536], sizes = [1024, 128], strides = [1, 1]} : vector<1024x4096xf32> to vector<1024x128xf32>
    %lt3A_94 = arith.cmpf olt, %slice3A_93, %select_n3A_92 : vector<1024x128xf32>
    %jit3A_95 = arith.constant 12 : i32
    %broadcast_in_dim3A_96 = vector.broadcast %jit3A_95 : i32 to vector<1024x128xi32>
    %select_n3A_97 = arith.select %lt3A_94, %broadcast_in_dim3A_96, %select_n3A_91 : vector<1024x128xi1>, vector<1024x128xi32>
    %select_n3A_98 = arith.select %lt3A_94, %slice3A_93, %select_n3A_92 : vector<1024x128xi1>, vector<1024x128xf32>
    %slice3A_99 = vector.extract_strided_slice %sub3A {offsets = [0, 1664], sizes = [1024, 128], strides = [1, 1]} : vector<1024x4096xf32> to vector<1024x128xf32>
    %lt3A_100 = arith.cmpf olt, %slice3A_99, %select_n3A_98 : vector<1024x128xf32>
    %jit3A_101 = arith.constant 13 : i32
    %broadcast_in_dim3A_102 = vector.broadcast %jit3A_101 : i32 to vector<1024x128xi32>
    %select_n3A_103 = arith.select %lt3A_100, %broadcast_in_dim3A_102, %select_n3A_97 : vector<1024x128xi1>, vector<1024x128xi32>
    %select_n3A_104 = arith.select %lt3A_100, %slice3A_99, %select_n3A_98 : vector<1024x128xi1>, vector<1024x128xf32>
    %slice3A_105 = vector.extract_strided_slice %sub3A {offsets = [0, 1792], sizes = [1024, 128], strides = [1, 1]} : vector<1024x4096xf32> to vector<1024x128xf32>
    %lt3A_106 = arith.cmpf olt, %slice3A_105, %select_n3A_104 : vector<1024x128xf32>
    %jit3A_107 = arith.constant 14 : i32
    %broadcast_in_dim3A_108 = vector.broadcast %jit3A_107 : i32 to vector<1024x128xi32>
    %select_n3A_109 = arith.select %lt3A_106, %broadcast_in_dim3A_108, %select_n3A_103 : vector<1024x128xi1>, vector<1024x128xi32>
    %select_n3A_110 = arith.select %lt3A_106, %slice3A_105, %select_n3A_104 : vector<1024x128xi1>, vector<1024x128xf32>
    %slice3A_111 = vector.extract_strided_slice %sub3A {offsets = [0, 1920], sizes = [1024, 128], strides = [1, 1]} : vector<1024x4096xf32> to vector<1024x128xf32>
    %lt3A_112 = arith.cmpf olt, %slice3A_111, %select_n3A_110 : vector<1024x128xf32>
    %jit3A_113 = arith.constant 15 : i32
    %broadcast_in_dim3A_114 = vector.broadcast %jit3A_113 : i32 to vector<1024x128xi32>
    %select_n3A_115 = arith.select %lt3A_112, %broadcast_in_dim3A_114, %select_n3A_109 : vector<1024x128xi1>, vector<1024x128xi32>
    %select_n3A_116 = arith.select %lt3A_112, %slice3A_111, %select_n3A_110 : vector<1024x128xi1>, vector<1024x128xf32>
    %slice3A_117 = vector.extract_strided_slice %sub3A {offsets = [0, 2048], sizes = [1024, 128], strides = [1, 1]} : vector<1024x4096xf32> to vector<1024x128xf32>
    %lt3A_118 = arith.cmpf olt, %slice3A_117, %select_n3A_116 : vector<1024x128xf32>
    %jit3A_119 = arith.constant 16 : i32
    %broadcast_in_dim3A_120 = vector.broadcast %jit3A_119 : i32 to vector<1024x128xi32>
    %select_n3A_121 = arith.select %lt3A_118, %broadcast_in_dim3A_120, %select_n3A_115 : vector<1024x128xi1>, vector<1024x128xi32>
    %select_n3A_122 = arith.select %lt3A_118, %slice3A_117, %select_n3A_116 : vector<1024x128xi1>, vector<1024x128xf32>
    %slice3A_123 = vector.extract_strided_slice %sub3A {offsets = [0, 2176], sizes = [1024, 128], strides = [1, 1]} : vector<1024x4096xf32> to vector<1024x128xf32>
    %lt3A_124 = arith.cmpf olt, %slice3A_123, %select_n3A_122 : vector<1024x128xf32>
    %jit3A_125 = arith.constant 17 : i32
    %broadcast_in_dim3A_126 = vector.broadcast %jit3A_125 : i32 to vector<1024x128xi32>
    %select_n3A_127 = arith.select %lt3A_124, %broadcast_in_dim3A_126, %select_n3A_121 : vector<1024x128xi1>, vector<1024x128xi32>
    %select_n3A_128 = arith.select %lt3A_124, %slice3A_123, %select_n3A_122 : vector<1024x128xi1>, vector<1024x128xf32>
    %slice3A_129 = vector.extract_strided_slice %sub3A {offsets = [0, 2304], sizes = [1024, 128], strides = [1, 1]} : vector<1024x4096xf32> to vector<1024x128xf32>
    %lt3A_130 = arith.cmpf olt, %slice3A_129, %select_n3A_128 : vector<1024x128xf32>
    %jit3A_131 = arith.constant 18 : i32
    %broadcast_in_dim3A_132 = vector.broadcast %jit3A_131 : i32 to vector<1024x128xi32>
    %select_n3A_133 = arith.select %lt3A_130, %broadcast_in_dim3A_132, %select_n3A_127 : vector<1024x128xi1>, vector<1024x128xi32>
    %select_n3A_134 = arith.select %lt3A_130, %slice3A_129, %select_n3A_128 : vector<1024x128xi1>, vector<1024x128xf32>
    %slice3A_135 = vector.extract_strided_slice %sub3A {offsets = [0, 2432], sizes = [1024, 128], strides = [1, 1]} : vector<1024x4096xf32> to vector<1024x128xf32>
    %lt3A_136 = arith.cmpf olt, %slice3A_135, %select_n3A_134 : vector<1024x128xf32>
    %jit3A_137 = arith.constant 19 : i32
    %broadcast_in_dim3A_138 = vector.broadcast %jit3A_137 : i32 to vector<1024x128xi32>
    %select_n3A_139 = arith.select %lt3A_136, %broadcast_in_dim3A_138, %select_n3A_133 : vector<1024x128xi1>, vector<1024x128xi32>
    %select_n3A_140 = arith.select %lt3A_136, %slice3A_135, %select_n3A_134 : vector<1024x128xi1>, vector<1024x128xf32>
    %slice3A_141 = vector.extract_strided_slice %sub3A {offsets = [0, 2560], sizes = [1024, 128], strides = [1, 1]} : vector<1024x4096xf32> to vector<1024x128xf32>
    %lt3A_142 = arith.cmpf olt, %slice3A_141, %select_n3A_140 : vector<1024x128xf32>
    %jit3A_143 = arith.constant 20 : i32
    %broadcast_in_dim3A_144 = vector.broadcast %jit3A_143 : i32 to vector<1024x128xi32>
    %select_n3A_145 = arith.select %lt3A_142, %broadcast_in_dim3A_144, %select_n3A_139 : vector<1024x128xi1>, vector<1024x128xi32>
    %select_n3A_146 = arith.select %lt3A_142, %slice3A_141, %select_n3A_140 : vector<1024x128xi1>, vector<1024x128xf32>
    %slice3A_147 = vector.extract_strided_slice %sub3A {offsets = [0, 2688], sizes = [1024, 128], strides = [1, 1]} : vector<1024x4096xf32> to vector<1024x128xf32>
    %lt3A_148 = arith.cmpf olt, %slice3A_147, %select_n3A_146 : vector<1024x128xf32>
    %jit3A_149 = arith.constant 21 : i32
    %broadcast_in_dim3A_150 = vector.broadcast %jit3A_149 : i32 to vector<1024x128xi32>
    %select_n3A_151 = arith.select %lt3A_148, %broadcast_in_dim3A_150, %select_n3A_145 : vector<1024x128xi1>, vector<1024x128xi32>
    %select_n3A_152 = arith.select %lt3A_148, %slice3A_147, %select_n3A_146 : vector<1024x128xi1>, vector<1024x128xf32>
    %slice3A_153 = vector.extract_strided_slice %sub3A {offsets = [0, 2816], sizes = [1024, 128], strides = [1, 1]} : vector<1024x4096xf32> to vector<1024x128xf32>
    %lt3A_154 = arith.cmpf olt, %slice3A_153, %select_n3A_152 : vector<1024x128xf32>
    %jit3A_155 = arith.constant 22 : i32
    %broadcast_in_dim3A_156 = vector.broadcast %jit3A_155 : i32 to vector<1024x128xi32>
    %select_n3A_157 = arith.select %lt3A_154, %broadcast_in_dim3A_156, %select_n3A_151 : vector<1024x128xi1>, vector<1024x128xi32>
    %select_n3A_158 = arith.select %lt3A_154, %slice3A_153, %select_n3A_152 : vector<1024x128xi1>, vector<1024x128xf32>
    %slice3A_159 = vector.extract_strided_slice %sub3A {offsets = [0, 2944], sizes = [1024, 128], strides = [1, 1]} : vector<1024x4096xf32> to vector<1024x128xf32>
    %lt3A_160 = arith.cmpf olt, %slice3A_159, %select_n3A_158 : vector<1024x128xf32>
    %jit3A_161 = arith.constant 23 : i32
    %broadcast_in_dim3A_162 = vector.broadcast %jit3A_161 : i32 to vector<1024x128xi32>
    %select_n3A_163 = arith.select %lt3A_160, %broadcast_in_dim3A_162, %select_n3A_157 : vector<1024x128xi1>, vector<1024x128xi32>
    %select_n3A_164 = arith.select %lt3A_160, %slice3A_159, %select_n3A_158 : vector<1024x128xi1>, vector<1024x128xf32>
    %slice3A_165 = vector.extract_strided_slice %sub3A {offsets = [0, 3072], sizes = [1024, 128], strides = [1, 1]} : vector<1024x4096xf32> to vector<1024x128xf32>
    %lt3A_166 = arith.cmpf olt, %slice3A_165, %select_n3A_164 : vector<1024x128xf32>
    %jit3A_167 = arith.constant 24 : i32
    %broadcast_in_dim3A_168 = vector.broadcast %jit3A_167 : i32 to vector<1024x128xi32>
    %select_n3A_169 = arith.select %lt3A_166, %broadcast_in_dim3A_168, %select_n3A_163 : vector<1024x128xi1>, vector<1024x128xi32>
    %select_n3A_170 = arith.select %lt3A_166, %slice3A_165, %select_n3A_164 : vector<1024x128xi1>, vector<1024x128xf32>
    %slice3A_171 = vector.extract_strided_slice %sub3A {offsets = [0, 3200], sizes = [1024, 128], strides = [1, 1]} : vector<1024x4096xf32> to vector<1024x128xf32>
    %lt3A_172 = arith.cmpf olt, %slice3A_171, %select_n3A_170 : vector<1024x128xf32>
    %jit3A_173 = arith.constant 25 : i32
    %broadcast_in_dim3A_174 = vector.broadcast %jit3A_173 : i32 to vector<1024x128xi32>
    %select_n3A_175 = arith.select %lt3A_172, %broadcast_in_dim3A_174, %select_n3A_169 : vector<1024x128xi1>, vector<1024x128xi32>
    %select_n3A_176 = arith.select %lt3A_172, %slice3A_171, %select_n3A_170 : vector<1024x128xi1>, vector<1024x128xf32>
    %slice3A_177 = vector.extract_strided_slice %sub3A {offsets = [0, 3328], sizes = [1024, 128], strides = [1, 1]} : vector<1024x4096xf32> to vector<1024x128xf32>
    %lt3A_178 = arith.cmpf olt, %slice3A_177, %select_n3A_176 : vector<1024x128xf32>
    %jit3A_179 = arith.constant 26 : i32
    %broadcast_in_dim3A_180 = vector.broadcast %jit3A_179 : i32 to vector<1024x128xi32>
    %select_n3A_181 = arith.select %lt3A_178, %broadcast_in_dim3A_180, %select_n3A_175 : vector<1024x128xi1>, vector<1024x128xi32>
    %select_n3A_182 = arith.select %lt3A_178, %slice3A_177, %select_n3A_176 : vector<1024x128xi1>, vector<1024x128xf32>
    %slice3A_183 = vector.extract_strided_slice %sub3A {offsets = [0, 3456], sizes = [1024, 128], strides = [1, 1]} : vector<1024x4096xf32> to vector<1024x128xf32>
    %lt3A_184 = arith.cmpf olt, %slice3A_183, %select_n3A_182 : vector<1024x128xf32>
    %jit3A_185 = arith.constant 27 : i32
    %broadcast_in_dim3A_186 = vector.broadcast %jit3A_185 : i32 to vector<1024x128xi32>
    %select_n3A_187 = arith.select %lt3A_184, %broadcast_in_dim3A_186, %select_n3A_181 : vector<1024x128xi1>, vector<1024x128xi32>
    %select_n3A_188 = arith.select %lt3A_184, %slice3A_183, %select_n3A_182 : vector<1024x128xi1>, vector<1024x128xf32>
    %slice3A_189 = vector.extract_strided_slice %sub3A {offsets = [0, 3584], sizes = [1024, 128], strides = [1, 1]} : vector<1024x4096xf32> to vector<1024x128xf32>
    %lt3A_190 = arith.cmpf olt, %slice3A_189, %select_n3A_188 : vector<1024x128xf32>
    %jit3A_191 = arith.constant 28 : i32
    %broadcast_in_dim3A_192 = vector.broadcast %jit3A_191 : i32 to vector<1024x128xi32>
    %select_n3A_193 = arith.select %lt3A_190, %broadcast_in_dim3A_192, %select_n3A_187 : vector<1024x128xi1>, vector<1024x128xi32>
    %select_n3A_194 = arith.select %lt3A_190, %slice3A_189, %select_n3A_188 : vector<1024x128xi1>, vector<1024x128xf32>
    %slice3A_195 = vector.extract_strided_slice %sub3A {offsets = [0, 3712], sizes = [1024, 128], strides = [1, 1]} : vector<1024x4096xf32> to vector<1024x128xf32>
    %lt3A_196 = arith.cmpf olt, %slice3A_195, %select_n3A_194 : vector<1024x128xf32>
    %jit3A_197 = arith.constant 29 : i32
    %broadcast_in_dim3A_198 = vector.broadcast %jit3A_197 : i32 to vector<1024x128xi32>
    %select_n3A_199 = arith.select %lt3A_196, %broadcast_in_dim3A_198, %select_n3A_193 : vector<1024x128xi1>, vector<1024x128xi32>
    %select_n3A_200 = arith.select %lt3A_196, %slice3A_195, %select_n3A_194 : vector<1024x128xi1>, vector<1024x128xf32>
    %slice3A_201 = vector.extract_strided_slice %sub3A {offsets = [0, 3840], sizes = [1024, 128], strides = [1, 1]} : vector<1024x4096xf32> to vector<1024x128xf32>
    %lt3A_202 = arith.cmpf olt, %slice3A_201, %select_n3A_200 : vector<1024x128xf32>
    %jit3A_203 = arith.constant 30 : i32
    %broadcast_in_dim3A_204 = vector.broadcast %jit3A_203 : i32 to vector<1024x128xi32>
    %select_n3A_205 = arith.select %lt3A_202, %broadcast_in_dim3A_204, %select_n3A_199 : vector<1024x128xi1>, vector<1024x128xi32>
    %select_n3A_206 = arith.select %lt3A_202, %slice3A_201, %select_n3A_200 : vector<1024x128xi1>, vector<1024x128xf32>
    %slice3A_207 = vector.extract_strided_slice %sub3A {offsets = [0, 3968], sizes = [1024, 128], strides = [1, 1]} : vector<1024x4096xf32> to vector<1024x128xf32>
    %lt3A_208 = arith.cmpf olt, %slice3A_207, %select_n3A_206 : vector<1024x128xf32>
    %jit3A_209 = arith.constant 31 : i32
    %broadcast_in_dim3A_210 = vector.broadcast %jit3A_209 : i32 to vector<1024x128xi32>
    %select_n3A_211 = arith.select %lt3A_208, %broadcast_in_dim3A_210, %select_n3A_205 : vector<1024x128xi1>, vector<1024x128xi32>
    %select_n3A_212 = arith.select %lt3A_208, %slice3A_207, %select_n3A_206 : vector<1024x128xi1>, vector<1024x128xf32>
    %reduce_min3A = arith.constant dense<0x7F800000> : vector<1024xf32>
    %reduce_min3A_213 = vector.multi_reduction <minimumf>, %select_n3A_212, %reduce_min3A [1] : vector<1024x128xf32> to vector<1024xf32>
    %broadcast_in_dim3A_214 = vector.shape_cast %reduce_min3A_213 : vector<1024xf32> to vector<1024x1xf32>
    %mul3A_215 = arith.constant 128 : i32
    %mul3A_216 = vector.broadcast %mul3A_215 : i32 to vector<1024x128xi32>
    %mul3A_217 = arith.muli %select_n3A_211, %mul3A_216 : vector<1024x128xi32>
    %add3A_218 = arith.constant 0 : i32
    %add3A_219 = vector.broadcast %add3A_218 : i32 to vector<1024x128xi32>
    %add3A_220 = arith.addi %add3A_219, %mul3A_217 : vector<1024x128xi32>
    %add3A_221 = arith.addi %add3A_220, %iota3A : vector<1024x128xi32>
    %eq3A = vector.broadcast %broadcast_in_dim3A_214 : vector<1024x1xf32> to vector<1024x128xf32>
    %eq3A_222 = arith.cmpf oeq, %select_n3A_212, %eq3A : vector<1024x128xf32>
    %jit3A_223 = arith.constant 1073741824 : i32
    %broadcast_in_dim3A_224 = vector.broadcast %jit3A_223 : i32 to vector<1024x128xi32>
    %select_n3A_225 = arith.select %eq3A_222, %add3A_221, %broadcast_in_dim3A_224 : vector<1024x128xi1>, vector<1024x128xi32>
    %reduce_min3A_226 = arith.constant dense<2147483647> : vector<1024xi32>
    %reduce_min3A_227 = vector.multi_reduction <minsi>, %select_n3A_225, %reduce_min3A_226 [1] : vector<1024x128xi32> to vector<1024xi32>
    %broadcast_in_dim3A_228 = vector.shape_cast %reduce_min3A_227 : vector<1024xi32> to vector<1024x1xi32>
    %lt3A_229 = arith.cmpf olt, %broadcast_in_dim3A_214, %broadcast_in_dim3A_7 : vector<1024x1xf32>
    %eq3A_230 = arith.cmpf oeq, %broadcast_in_dim3A_214, %broadcast_in_dim3A_7 : vector<1024x1xf32>
    %lt3A_231 = arith.cmpi slt, %broadcast_in_dim3A_228, %broadcast_in_dim3A_11 : vector<1024x1xi32>
    %and3A = arith.andi %eq3A_230, %lt3A_231 : vector<1024x1xi1>
    %or3A = arith.ori %lt3A_229, %and3A : vector<1024x1xi1>
    %select_n3A_232 = arith.select %or3A, %broadcast_in_dim3A_228, %broadcast_in_dim3A_11 : vector<1024x1xi1>, vector<1024x1xi32>
    %select_n3A_233 = arith.select %lt3A_229, %broadcast_in_dim3A_214, %broadcast_in_dim3A_9 : vector<1024x1xi1>, vector<1024x1xf32>
    %convert_element_type3A_234 = arith.truncf %broadcast_in_dim3A_214 : vector<1024x1xf32> to vector<1024x1xbf16>
    %convert_element_type3A_235 = arith.extf %convert_element_type3A_234 : vector<1024x1xbf16> to vector<1024x1xf32>
    %select_n3A_236 = arith.select %lt3A_229, %convert_element_type3A_235, %broadcast_in_dim3A_7 : vector<1024x1xi1>, vector<1024x1xf32>
    %get3A_237 = arith.constant 4096 : index
    %get3A_238 = arith.constant 0 : index
    %get3A_239 = vector.load %arg5[%get3A_237, %get3A_238] : memref<8192x64xbf16, #tpu.memory_space<vmem>>, vector<4096x64xbf16>
    %dot_general3A_240 = arith.constant dense<0.000000e+00> : vector<1024x4096xf32>
    %dot_general3A_241 = tpu.matmul %convert_element_type3A, %get3A_239, %dot_general3A_240 {dimension_numbers = #tpu.dot_dimension_numbers<[1], [1], [0], [0], [0, 0, 1, 0], [], []>, transpose_lhs_hint = false} : vector<1024x64xbf16>, vector<4096x64xbf16>, vector<1024x4096xf32> -> vector<1024x4096xf32>
    %get3A_242 = arith.constant 0 : index
    %get3A_243 = arith.constant 4096 : index
    %get3A_244 = vector.load %arg3[%get3A_242, %get3A_243] : memref<1x8192xf32, #tpu.memory_space<vmem>>, vector<1x4096xf32>
    %add3A_245 = vector.broadcast %get3A_4 : vector<1024x1xf32> to vector<1024x4096xf32>
    %add3A_246 = vector.broadcast %get3A_244 : vector<1x4096xf32> to vector<1024x4096xf32>
    %add3A_247 = arith.addf %add3A_245, %add3A_246 : vector<1024x4096xf32>
    %sub3A_248 = arith.subf %add3A_247, %dot_general3A_241 : vector<1024x4096xf32>
    %broadcast_in_dim3A_249 = arith.constant 0x7F800000 : f32
    %broadcast_in_dim3A_250 = vector.broadcast %broadcast_in_dim3A_249 : f32 to vector<1024x128xf32>
    %broadcast_in_dim3A_251 = arith.constant 0 : i32
    %broadcast_in_dim3A_252 = vector.broadcast %broadcast_in_dim3A_251 : i32 to vector<1024x128xi32>
    %slice3A_253 = vector.extract_strided_slice %sub3A_248 {offsets = [0, 0], sizes = [1024, 128], strides = [1, 1]} : vector<1024x4096xf32> to vector<1024x128xf32>
    %lt3A_254 = arith.cmpf olt, %slice3A_253, %broadcast_in_dim3A_250 : vector<1024x128xf32>
    %jit3A_255 = arith.constant 0 : i32
    %broadcast_in_dim3A_256 = vector.broadcast %jit3A_255 : i32 to vector<1024x128xi32>
    %select_n3A_257 = arith.select %lt3A_254, %broadcast_in_dim3A_256, %broadcast_in_dim3A_252 : vector<1024x128xi1>, vector<1024x128xi32>
    %select_n3A_258 = arith.select %lt3A_254, %slice3A_253, %broadcast_in_dim3A_250 : vector<1024x128xi1>, vector<1024x128xf32>
    %slice3A_259 = vector.extract_strided_slice %sub3A_248 {offsets = [0, 128], sizes = [1024, 128], strides = [1, 1]} : vector<1024x4096xf32> to vector<1024x128xf32>
    %lt3A_260 = arith.cmpf olt, %slice3A_259, %select_n3A_258 : vector<1024x128xf32>
    %jit3A_261 = arith.constant 1 : i32
    %broadcast_in_dim3A_262 = vector.broadcast %jit3A_261 : i32 to vector<1024x128xi32>
    %select_n3A_263 = arith.select %lt3A_260, %broadcast_in_dim3A_262, %select_n3A_257 : vector<1024x128xi1>, vector<1024x128xi32>
    %select_n3A_264 = arith.select %lt3A_260, %slice3A_259, %select_n3A_258 : vector<1024x128xi1>, vector<1024x128xf32>
    %slice3A_265 = vector.extract_strided_slice %sub3A_248 {offsets = [0, 256], sizes = [1024, 128], strides = [1, 1]} : vector<1024x4096xf32> to vector<1024x128xf32>
    %lt3A_266 = arith.cmpf olt, %slice3A_265, %select_n3A_264 : vector<1024x128xf32>
    %jit3A_267 = arith.constant 2 : i32
    %broadcast_in_dim3A_268 = vector.broadcast %jit3A_267 : i32 to vector<1024x128xi32>
    %select_n3A_269 = arith.select %lt3A_266, %broadcast_in_dim3A_268, %select_n3A_263 : vector<1024x128xi1>, vector<1024x128xi32>
    %select_n3A_270 = arith.select %lt3A_266, %slice3A_265, %select_n3A_264 : vector<1024x128xi1>, vector<1024x128xf32>
    %slice3A_271 = vector.extract_strided_slice %sub3A_248 {offsets = [0, 384], sizes = [1024, 128], strides = [1, 1]} : vector<1024x4096xf32> to vector<1024x128xf32>
    %lt3A_272 = arith.cmpf olt, %slice3A_271, %select_n3A_270 : vector<1024x128xf32>
    %jit3A_273 = arith.constant 3 : i32
    %broadcast_in_dim3A_274 = vector.broadcast %jit3A_273 : i32 to vector<1024x128xi32>
    %select_n3A_275 = arith.select %lt3A_272, %broadcast_in_dim3A_274, %select_n3A_269 : vector<1024x128xi1>, vector<1024x128xi32>
    %select_n3A_276 = arith.select %lt3A_272, %slice3A_271, %select_n3A_270 : vector<1024x128xi1>, vector<1024x128xf32>
    %slice3A_277 = vector.extract_strided_slice %sub3A_248 {offsets = [0, 512], sizes = [1024, 128], strides = [1, 1]} : vector<1024x4096xf32> to vector<1024x128xf32>
    %lt3A_278 = arith.cmpf olt, %slice3A_277, %select_n3A_276 : vector<1024x128xf32>
    %jit3A_279 = arith.constant 4 : i32
    %broadcast_in_dim3A_280 = vector.broadcast %jit3A_279 : i32 to vector<1024x128xi32>
    %select_n3A_281 = arith.select %lt3A_278, %broadcast_in_dim3A_280, %select_n3A_275 : vector<1024x128xi1>, vector<1024x128xi32>
    %select_n3A_282 = arith.select %lt3A_278, %slice3A_277, %select_n3A_276 : vector<1024x128xi1>, vector<1024x128xf32>
    %slice3A_283 = vector.extract_strided_slice %sub3A_248 {offsets = [0, 640], sizes = [1024, 128], strides = [1, 1]} : vector<1024x4096xf32> to vector<1024x128xf32>
    %lt3A_284 = arith.cmpf olt, %slice3A_283, %select_n3A_282 : vector<1024x128xf32>
    %jit3A_285 = arith.constant 5 : i32
    %broadcast_in_dim3A_286 = vector.broadcast %jit3A_285 : i32 to vector<1024x128xi32>
    %select_n3A_287 = arith.select %lt3A_284, %broadcast_in_dim3A_286, %select_n3A_281 : vector<1024x128xi1>, vector<1024x128xi32>
    %select_n3A_288 = arith.select %lt3A_284, %slice3A_283, %select_n3A_282 : vector<1024x128xi1>, vector<1024x128xf32>
    %slice3A_289 = vector.extract_strided_slice %sub3A_248 {offsets = [0, 768], sizes = [1024, 128], strides = [1, 1]} : vector<1024x4096xf32> to vector<1024x128xf32>
    %lt3A_290 = arith.cmpf olt, %slice3A_289, %select_n3A_288 : vector<1024x128xf32>
    %jit3A_291 = arith.constant 6 : i32
    %broadcast_in_dim3A_292 = vector.broadcast %jit3A_291 : i32 to vector<1024x128xi32>
    %select_n3A_293 = arith.select %lt3A_290, %broadcast_in_dim3A_292, %select_n3A_287 : vector<1024x128xi1>, vector<1024x128xi32>
    %select_n3A_294 = arith.select %lt3A_290, %slice3A_289, %select_n3A_288 : vector<1024x128xi1>, vector<1024x128xf32>
    %slice3A_295 = vector.extract_strided_slice %sub3A_248 {offsets = [0, 896], sizes = [1024, 128], strides = [1, 1]} : vector<1024x4096xf32> to vector<1024x128xf32>
    %lt3A_296 = arith.cmpf olt, %slice3A_295, %select_n3A_294 : vector<1024x128xf32>
    %jit3A_297 = arith.constant 7 : i32
    %broadcast_in_dim3A_298 = vector.broadcast %jit3A_297 : i32 to vector<1024x128xi32>
    %select_n3A_299 = arith.select %lt3A_296, %broadcast_in_dim3A_298, %select_n3A_293 : vector<1024x128xi1>, vector<1024x128xi32>
    %select_n3A_300 = arith.select %lt3A_296, %slice3A_295, %select_n3A_294 : vector<1024x128xi1>, vector<1024x128xf32>
    %slice3A_301 = vector.extract_strided_slice %sub3A_248 {offsets = [0, 1024], sizes = [1024, 128], strides = [1, 1]} : vector<1024x4096xf32> to vector<1024x128xf32>
    %lt3A_302 = arith.cmpf olt, %slice3A_301, %select_n3A_300 : vector<1024x128xf32>
    %jit3A_303 = arith.constant 8 : i32
    %broadcast_in_dim3A_304 = vector.broadcast %jit3A_303 : i32 to vector<1024x128xi32>
    %select_n3A_305 = arith.select %lt3A_302, %broadcast_in_dim3A_304, %select_n3A_299 : vector<1024x128xi1>, vector<1024x128xi32>
    %select_n3A_306 = arith.select %lt3A_302, %slice3A_301, %select_n3A_300 : vector<1024x128xi1>, vector<1024x128xf32>
    %slice3A_307 = vector.extract_strided_slice %sub3A_248 {offsets = [0, 1152], sizes = [1024, 128], strides = [1, 1]} : vector<1024x4096xf32> to vector<1024x128xf32>
    %lt3A_308 = arith.cmpf olt, %slice3A_307, %select_n3A_306 : vector<1024x128xf32>
    %jit3A_309 = arith.constant 9 : i32
    %broadcast_in_dim3A_310 = vector.broadcast %jit3A_309 : i32 to vector<1024x128xi32>
    %select_n3A_311 = arith.select %lt3A_308, %broadcast_in_dim3A_310, %select_n3A_305 : vector<1024x128xi1>, vector<1024x128xi32>
    %select_n3A_312 = arith.select %lt3A_308, %slice3A_307, %select_n3A_306 : vector<1024x128xi1>, vector<1024x128xf32>
    %slice3A_313 = vector.extract_strided_slice %sub3A_248 {offsets = [0, 1280], sizes = [1024, 128], strides = [1, 1]} : vector<1024x4096xf32> to vector<1024x128xf32>
    %lt3A_314 = arith.cmpf olt, %slice3A_313, %select_n3A_312 : vector<1024x128xf32>
    %jit3A_315 = arith.constant 10 : i32
    %broadcast_in_dim3A_316 = vector.broadcast %jit3A_315 : i32 to vector<1024x128xi32>
    %select_n3A_317 = arith.select %lt3A_314, %broadcast_in_dim3A_316, %select_n3A_311 : vector<1024x128xi1>, vector<1024x128xi32>
    %select_n3A_318 = arith.select %lt3A_314, %slice3A_313, %select_n3A_312 : vector<1024x128xi1>, vector<1024x128xf32>
    %slice3A_319 = vector.extract_strided_slice %sub3A_248 {offsets = [0, 1408], sizes = [1024, 128], strides = [1, 1]} : vector<1024x4096xf32> to vector<1024x128xf32>
    %lt3A_320 = arith.cmpf olt, %slice3A_319, %select_n3A_318 : vector<1024x128xf32>
    %jit3A_321 = arith.constant 11 : i32
    %broadcast_in_dim3A_322 = vector.broadcast %jit3A_321 : i32 to vector<1024x128xi32>
    %select_n3A_323 = arith.select %lt3A_320, %broadcast_in_dim3A_322, %select_n3A_317 : vector<1024x128xi1>, vector<1024x128xi32>
    %select_n3A_324 = arith.select %lt3A_320, %slice3A_319, %select_n3A_318 : vector<1024x128xi1>, vector<1024x128xf32>
    %slice3A_325 = vector.extract_strided_slice %sub3A_248 {offsets = [0, 1536], sizes = [1024, 128], strides = [1, 1]} : vector<1024x4096xf32> to vector<1024x128xf32>
    %lt3A_326 = arith.cmpf olt, %slice3A_325, %select_n3A_324 : vector<1024x128xf32>
    %jit3A_327 = arith.constant 12 : i32
    %broadcast_in_dim3A_328 = vector.broadcast %jit3A_327 : i32 to vector<1024x128xi32>
    %select_n3A_329 = arith.select %lt3A_326, %broadcast_in_dim3A_328, %select_n3A_323 : vector<1024x128xi1>, vector<1024x128xi32>
    %select_n3A_330 = arith.select %lt3A_326, %slice3A_325, %select_n3A_324 : vector<1024x128xi1>, vector<1024x128xf32>
    %slice3A_331 = vector.extract_strided_slice %sub3A_248 {offsets = [0, 1664], sizes = [1024, 128], strides = [1, 1]} : vector<1024x4096xf32> to vector<1024x128xf32>
    %lt3A_332 = arith.cmpf olt, %slice3A_331, %select_n3A_330 : vector<1024x128xf32>
    %jit3A_333 = arith.constant 13 : i32
    %broadcast_in_dim3A_334 = vector.broadcast %jit3A_333 : i32 to vector<1024x128xi32>
    %select_n3A_335 = arith.select %lt3A_332, %broadcast_in_dim3A_334, %select_n3A_329 : vector<1024x128xi1>, vector<1024x128xi32>
    %select_n3A_336 = arith.select %lt3A_332, %slice3A_331, %select_n3A_330 : vector<1024x128xi1>, vector<1024x128xf32>
    %slice3A_337 = vector.extract_strided_slice %sub3A_248 {offsets = [0, 1792], sizes = [1024, 128], strides = [1, 1]} : vector<1024x4096xf32> to vector<1024x128xf32>
    %lt3A_338 = arith.cmpf olt, %slice3A_337, %select_n3A_336 : vector<1024x128xf32>
    %jit3A_339 = arith.constant 14 : i32
    %broadcast_in_dim3A_340 = vector.broadcast %jit3A_339 : i32 to vector<1024x128xi32>
    %select_n3A_341 = arith.select %lt3A_338, %broadcast_in_dim3A_340, %select_n3A_335 : vector<1024x128xi1>, vector<1024x128xi32>
    %select_n3A_342 = arith.select %lt3A_338, %slice3A_337, %select_n3A_336 : vector<1024x128xi1>, vector<1024x128xf32>
    %slice3A_343 = vector.extract_strided_slice %sub3A_248 {offsets = [0, 1920], sizes = [1024, 128], strides = [1, 1]} : vector<1024x4096xf32> to vector<1024x128xf32>
    %lt3A_344 = arith.cmpf olt, %slice3A_343, %select_n3A_342 : vector<1024x128xf32>
    %jit3A_345 = arith.constant 15 : i32
    %broadcast_in_dim3A_346 = vector.broadcast %jit3A_345 : i32 to vector<1024x128xi32>
    %select_n3A_347 = arith.select %lt3A_344, %broadcast_in_dim3A_346, %select_n3A_341 : vector<1024x128xi1>, vector<1024x128xi32>
    %select_n3A_348 = arith.select %lt3A_344, %slice3A_343, %select_n3A_342 : vector<1024x128xi1>, vector<1024x128xf32>
    %slice3A_349 = vector.extract_strided_slice %sub3A_248 {offsets = [0, 2048], sizes = [1024, 128], strides = [1, 1]} : vector<1024x4096xf32> to vector<1024x128xf32>
    %lt3A_350 = arith.cmpf olt, %slice3A_349, %select_n3A_348 : vector<1024x128xf32>
    %jit3A_351 = arith.constant 16 : i32
    %broadcast_in_dim3A_352 = vector.broadcast %jit3A_351 : i32 to vector<1024x128xi32>
    %select_n3A_353 = arith.select %lt3A_350, %broadcast_in_dim3A_352, %select_n3A_347 : vector<1024x128xi1>, vector<1024x128xi32>
    %select_n3A_354 = arith.select %lt3A_350, %slice3A_349, %select_n3A_348 : vector<1024x128xi1>, vector<1024x128xf32>
    %slice3A_355 = vector.extract_strided_slice %sub3A_248 {offsets = [0, 2176], sizes = [1024, 128], strides = [1, 1]} : vector<1024x4096xf32> to vector<1024x128xf32>
    %lt3A_356 = arith.cmpf olt, %slice3A_355, %select_n3A_354 : vector<1024x128xf32>
    %jit3A_357 = arith.constant 17 : i32
    %broadcast_in_dim3A_358 = vector.broadcast %jit3A_357 : i32 to vector<1024x128xi32>
    %select_n3A_359 = arith.select %lt3A_356, %broadcast_in_dim3A_358, %select_n3A_353 : vector<1024x128xi1>, vector<1024x128xi32>
    %select_n3A_360 = arith.select %lt3A_356, %slice3A_355, %select_n3A_354 : vector<1024x128xi1>, vector<1024x128xf32>
    %slice3A_361 = vector.extract_strided_slice %sub3A_248 {offsets = [0, 2304], sizes = [1024, 128], strides = [1, 1]} : vector<1024x4096xf32> to vector<1024x128xf32>
    %lt3A_362 = arith.cmpf olt, %slice3A_361, %select_n3A_360 : vector<1024x128xf32>
    %jit3A_363 = arith.constant 18 : i32
    %broadcast_in_dim3A_364 = vector.broadcast %jit3A_363 : i32 to vector<1024x128xi32>
    %select_n3A_365 = arith.select %lt3A_362, %broadcast_in_dim3A_364, %select_n3A_359 : vector<1024x128xi1>, vector<1024x128xi32>
    %select_n3A_366 = arith.select %lt3A_362, %slice3A_361, %select_n3A_360 : vector<1024x128xi1>, vector<1024x128xf32>
    %slice3A_367 = vector.extract_strided_slice %sub3A_248 {offsets = [0, 2432], sizes = [1024, 128], strides = [1, 1]} : vector<1024x4096xf32> to vector<1024x128xf32>
    %lt3A_368 = arith.cmpf olt, %slice3A_367, %select_n3A_366 : vector<1024x128xf32>
    %jit3A_369 = arith.constant 19 : i32
    %broadcast_in_dim3A_370 = vector.broadcast %jit3A_369 : i32 to vector<1024x128xi32>
    %select_n3A_371 = arith.select %lt3A_368, %broadcast_in_dim3A_370, %select_n3A_365 : vector<1024x128xi1>, vector<1024x128xi32>
    %select_n3A_372 = arith.select %lt3A_368, %slice3A_367, %select_n3A_366 : vector<1024x128xi1>, vector<1024x128xf32>
    %slice3A_373 = vector.extract_strided_slice %sub3A_248 {offsets = [0, 2560], sizes = [1024, 128], strides = [1, 1]} : vector<1024x4096xf32> to vector<1024x128xf32>
    %lt3A_374 = arith.cmpf olt, %slice3A_373, %select_n3A_372 : vector<1024x128xf32>
    %jit3A_375 = arith.constant 20 : i32
    %broadcast_in_dim3A_376 = vector.broadcast %jit3A_375 : i32 to vector<1024x128xi32>
    %select_n3A_377 = arith.select %lt3A_374, %broadcast_in_dim3A_376, %select_n3A_371 : vector<1024x128xi1>, vector<1024x128xi32>
    %select_n3A_378 = arith.select %lt3A_374, %slice3A_373, %select_n3A_372 : vector<1024x128xi1>, vector<1024x128xf32>
    %slice3A_379 = vector.extract_strided_slice %sub3A_248 {offsets = [0, 2688], sizes = [1024, 128], strides = [1, 1]} : vector<1024x4096xf32> to vector<1024x128xf32>
    %lt3A_380 = arith.cmpf olt, %slice3A_379, %select_n3A_378 : vector<1024x128xf32>
    %jit3A_381 = arith.constant 21 : i32
    %broadcast_in_dim3A_382 = vector.broadcast %jit3A_381 : i32 to vector<1024x128xi32>
    %select_n3A_383 = arith.select %lt3A_380, %broadcast_in_dim3A_382, %select_n3A_377 : vector<1024x128xi1>, vector<1024x128xi32>
    %select_n3A_384 = arith.select %lt3A_380, %slice3A_379, %select_n3A_378 : vector<1024x128xi1>, vector<1024x128xf32>
    %slice3A_385 = vector.extract_strided_slice %sub3A_248 {offsets = [0, 2816], sizes = [1024, 128], strides = [1, 1]} : vector<1024x4096xf32> to vector<1024x128xf32>
    %lt3A_386 = arith.cmpf olt, %slice3A_385, %select_n3A_384 : vector<1024x128xf32>
    %jit3A_387 = arith.constant 22 : i32
    %broadcast_in_dim3A_388 = vector.broadcast %jit3A_387 : i32 to vector<1024x128xi32>
    %select_n3A_389 = arith.select %lt3A_386, %broadcast_in_dim3A_388, %select_n3A_383 : vector<1024x128xi1>, vector<1024x128xi32>
    %select_n3A_390 = arith.select %lt3A_386, %slice3A_385, %select_n3A_384 : vector<1024x128xi1>, vector<1024x128xf32>
    %slice3A_391 = vector.extract_strided_slice %sub3A_248 {offsets = [0, 2944], sizes = [1024, 128], strides = [1, 1]} : vector<1024x4096xf32> to vector<1024x128xf32>
    %lt3A_392 = arith.cmpf olt, %slice3A_391, %select_n3A_390 : vector<1024x128xf32>
    %jit3A_393 = arith.constant 23 : i32
    %broadcast_in_dim3A_394 = vector.broadcast %jit3A_393 : i32 to vector<1024x128xi32>
    %select_n3A_395 = arith.select %lt3A_392, %broadcast_in_dim3A_394, %select_n3A_389 : vector<1024x128xi1>, vector<1024x128xi32>
    %select_n3A_396 = arith.select %lt3A_392, %slice3A_391, %select_n3A_390 : vector<1024x128xi1>, vector<1024x128xf32>
    %slice3A_397 = vector.extract_strided_slice %sub3A_248 {offsets = [0, 3072], sizes = [1024, 128], strides = [1, 1]} : vector<1024x4096xf32> to vector<1024x128xf32>
    %lt3A_398 = arith.cmpf olt, %slice3A_397, %select_n3A_396 : vector<1024x128xf32>
    %jit3A_399 = arith.constant 24 : i32
    %broadcast_in_dim3A_400 = vector.broadcast %jit3A_399 : i32 to vector<1024x128xi32>
    %select_n3A_401 = arith.select %lt3A_398, %broadcast_in_dim3A_400, %select_n3A_395 : vector<1024x128xi1>, vector<1024x128xi32>
    %select_n3A_402 = arith.select %lt3A_398, %slice3A_397, %select_n3A_396 : vector<1024x128xi1>, vector<1024x128xf32>
    %slice3A_403 = vector.extract_strided_slice %sub3A_248 {offsets = [0, 3200], sizes = [1024, 128], strides = [1, 1]} : vector<1024x4096xf32> to vector<1024x128xf32>
    %lt3A_404 = arith.cmpf olt, %slice3A_403, %select_n3A_402 : vector<1024x128xf32>
    %jit3A_405 = arith.constant 25 : i32
    %broadcast_in_dim3A_406 = vector.broadcast %jit3A_405 : i32 to vector<1024x128xi32>
    %select_n3A_407 = arith.select %lt3A_404, %broadcast_in_dim3A_406, %select_n3A_401 : vector<1024x128xi1>, vector<1024x128xi32>
    %select_n3A_408 = arith.select %lt3A_404, %slice3A_403, %select_n3A_402 : vector<1024x128xi1>, vector<1024x128xf32>
    %slice3A_409 = vector.extract_strided_slice %sub3A_248 {offsets = [0, 3328], sizes = [1024, 128], strides = [1, 1]} : vector<1024x4096xf32> to vector<1024x128xf32>
    %lt3A_410 = arith.cmpf olt, %slice3A_409, %select_n3A_408 : vector<1024x128xf32>
    %jit3A_411 = arith.constant 26 : i32
    %broadcast_in_dim3A_412 = vector.broadcast %jit3A_411 : i32 to vector<1024x128xi32>
    %select_n3A_413 = arith.select %lt3A_410, %broadcast_in_dim3A_412, %select_n3A_407 : vector<1024x128xi1>, vector<1024x128xi32>
    %select_n3A_414 = arith.select %lt3A_410, %slice3A_409, %select_n3A_408 : vector<1024x128xi1>, vector<1024x128xf32>
    %slice3A_415 = vector.extract_strided_slice %sub3A_248 {offsets = [0, 3456], sizes = [1024, 128], strides = [1, 1]} : vector<1024x4096xf32> to vector<1024x128xf32>
    %lt3A_416 = arith.cmpf olt, %slice3A_415, %select_n3A_414 : vector<1024x128xf32>
    %jit3A_417 = arith.constant 27 : i32
    %broadcast_in_dim3A_418 = vector.broadcast %jit3A_417 : i32 to vector<1024x128xi32>
    %select_n3A_419 = arith.select %lt3A_416, %broadcast_in_dim3A_418, %select_n3A_413 : vector<1024x128xi1>, vector<1024x128xi32>
    %select_n3A_420 = arith.select %lt3A_416, %slice3A_415, %select_n3A_414 : vector<1024x128xi1>, vector<1024x128xf32>
    %slice3A_421 = vector.extract_strided_slice %sub3A_248 {offsets = [0, 3584], sizes = [1024, 128], strides = [1, 1]} : vector<1024x4096xf32> to vector<1024x128xf32>
    %lt3A_422 = arith.cmpf olt, %slice3A_421, %select_n3A_420 : vector<1024x128xf32>
    %jit3A_423 = arith.constant 28 : i32
    %broadcast_in_dim3A_424 = vector.broadcast %jit3A_423 : i32 to vector<1024x128xi32>
    %select_n3A_425 = arith.select %lt3A_422, %broadcast_in_dim3A_424, %select_n3A_419 : vector<1024x128xi1>, vector<1024x128xi32>
    %select_n3A_426 = arith.select %lt3A_422, %slice3A_421, %select_n3A_420 : vector<1024x128xi1>, vector<1024x128xf32>
    %slice3A_427 = vector.extract_strided_slice %sub3A_248 {offsets = [0, 3712], sizes = [1024, 128], strides = [1, 1]} : vector<1024x4096xf32> to vector<1024x128xf32>
    %lt3A_428 = arith.cmpf olt, %slice3A_427, %select_n3A_426 : vector<1024x128xf32>
    %jit3A_429 = arith.constant 29 : i32
    %broadcast_in_dim3A_430 = vector.broadcast %jit3A_429 : i32 to vector<1024x128xi32>
    %select_n3A_431 = arith.select %lt3A_428, %broadcast_in_dim3A_430, %select_n3A_425 : vector<1024x128xi1>, vector<1024x128xi32>
    %select_n3A_432 = arith.select %lt3A_428, %slice3A_427, %select_n3A_426 : vector<1024x128xi1>, vector<1024x128xf32>
    %slice3A_433 = vector.extract_strided_slice %sub3A_248 {offsets = [0, 3840], sizes = [1024, 128], strides = [1, 1]} : vector<1024x4096xf32> to vector<1024x128xf32>
    %lt3A_434 = arith.cmpf olt, %slice3A_433, %select_n3A_432 : vector<1024x128xf32>
    %jit3A_435 = arith.constant 30 : i32
    %broadcast_in_dim3A_436 = vector.broadcast %jit3A_435 : i32 to vector<1024x128xi32>
    %select_n3A_437 = arith.select %lt3A_434, %broadcast_in_dim3A_436, %select_n3A_431 : vector<1024x128xi1>, vector<1024x128xi32>
    %select_n3A_438 = arith.select %lt3A_434, %slice3A_433, %select_n3A_432 : vector<1024x128xi1>, vector<1024x128xf32>
    %slice3A_439 = vector.extract_strided_slice %sub3A_248 {offsets = [0, 3968], sizes = [1024, 128], strides = [1, 1]} : vector<1024x4096xf32> to vector<1024x128xf32>
    %lt3A_440 = arith.cmpf olt, %slice3A_439, %select_n3A_438 : vector<1024x128xf32>
    %jit3A_441 = arith.constant 31 : i32
    %broadcast_in_dim3A_442 = vector.broadcast %jit3A_441 : i32 to vector<1024x128xi32>
    %select_n3A_443 = arith.select %lt3A_440, %broadcast_in_dim3A_442, %select_n3A_437 : vector<1024x128xi1>, vector<1024x128xi32>
    %select_n3A_444 = arith.select %lt3A_440, %slice3A_439, %select_n3A_438 : vector<1024x128xi1>, vector<1024x128xf32>
    %reduce_min3A_445 = arith.constant dense<0x7F800000> : vector<1024xf32>
    %reduce_min3A_446 = vector.multi_reduction <minimumf>, %select_n3A_444, %reduce_min3A_445 [1] : vector<1024x128xf32> to vector<1024xf32>
    %broadcast_in_dim3A_447 = vector.shape_cast %reduce_min3A_446 : vector<1024xf32> to vector<1024x1xf32>
    %mul3A_448 = arith.constant 128 : i32
    %mul3A_449 = vector.broadcast %mul3A_448 : i32 to vector<1024x128xi32>
    %mul3A_450 = arith.muli %select_n3A_443, %mul3A_449 : vector<1024x128xi32>
    %add3A_451 = arith.constant 4096 : i32
    %add3A_452 = vector.broadcast %add3A_451 : i32 to vector<1024x128xi32>
    %add3A_453 = arith.addi %add3A_452, %mul3A_450 : vector<1024x128xi32>
    %add3A_454 = arith.addi %add3A_453, %iota3A : vector<1024x128xi32>
    %eq3A_455 = vector.broadcast %broadcast_in_dim3A_447 : vector<1024x1xf32> to vector<1024x128xf32>
    %eq3A_456 = arith.cmpf oeq, %select_n3A_444, %eq3A_455 : vector<1024x128xf32>
    %jit3A_457 = arith.constant 1073741824 : i32
    %broadcast_in_dim3A_458 = vector.broadcast %jit3A_457 : i32 to vector<1024x128xi32>
    %select_n3A_459 = arith.select %eq3A_456, %add3A_454, %broadcast_in_dim3A_458 : vector<1024x128xi1>, vector<1024x128xi32>
    %reduce_min3A_460 = arith.constant dense<2147483647> : vector<1024xi32>
    %reduce_min3A_461 = vector.multi_reduction <minsi>, %select_n3A_459, %reduce_min3A_460 [1] : vector<1024x128xi32> to vector<1024xi32>
    %broadcast_in_dim3A_462 = vector.shape_cast %reduce_min3A_461 : vector<1024xi32> to vector<1024x1xi32>
    %lt3A_463 = arith.cmpf olt, %broadcast_in_dim3A_447, %select_n3A_236 : vector<1024x1xf32>
    %eq3A_464 = arith.cmpf oeq, %broadcast_in_dim3A_447, %select_n3A_236 : vector<1024x1xf32>
    %lt3A_465 = arith.cmpi slt, %broadcast_in_dim3A_462, %select_n3A_232 : vector<1024x1xi32>
    %and3A_466 = arith.andi %eq3A_464, %lt3A_465 : vector<1024x1xi1>
    %or3A_467 = arith.ori %lt3A_463, %and3A_466 : vector<1024x1xi1>
    %select_n3A_468 = arith.select %or3A_467, %broadcast_in_dim3A_462, %select_n3A_232 : vector<1024x1xi1>, vector<1024x1xi32>
    %select_n3A_469 = arith.select %lt3A_463, %broadcast_in_dim3A_447, %select_n3A_233 : vector<1024x1xi1>, vector<1024x1xf32>
    %squeeze3A = vector.shape_cast %select_n3A_468 : vector<1024x1xi32> to vector<1024xi32>
    %swap3A = arith.constant 0 : index
    %swap3A_470 = arith.constant 0 : index
    %swap3A_471 = arith.constant 0 : index
    %swap3A_472 = vector.load %arg6[%swap3A, %swap3A_470, %swap3A_471] : memref<1x1x1024xi32, #tpu.memory_space<vmem>>, vector<1x1x1024xi32>
    %swap3A_473 = vector.shape_cast %swap3A_472 : vector<1x1x1024xi32> to vector<1024xi32>
    %swap3A_474 = vector.shape_cast %squeeze3A : vector<1024xi32> to vector<1x1x1024xi32>
    tpu.vector_store %arg6[%swap3A, %swap3A_470, %swap3A_471], %swap3A_474 {strides = array<i32>} : memref<1x1x1024xi32, #tpu.memory_space<vmem>>, vector<1x1x1024xi32>,
    %eq3A_475 = arith.constant 0 : i32
    %eq3A_476 = arith.cmpi eq, %arg0, %eq3A_475 : i32
    %convert_element_type3A_477 = arith.extui %eq3A_476 : i1 to i32
    %cond3A = arith.constant 0 : i32
    %cond3A_478 = arith.cmpi ne, %convert_element_type3A_477, %cond3A : i32
    scf.if %cond3A_478 {
      %broadcast_in_dim3A_491 = arith.constant 0.000000e+00 : f32
      %broadcast_in_dim3A_492 = vector.broadcast %broadcast_in_dim3A_491 : f32 to vector<1x1xf32>
      %swap3A_493 = arith.constant 0 : index
      %swap3A_494 = arith.constant 0 : index
      %swap3A_495 = vector.load %arg7[%swap3A_493, %swap3A_494] : memref<1x1xf32, #tpu.memory_space<vmem>>, vector<1x1xf32>
      tpu.vector_store %arg7[%swap3A_493, %swap3A_494], %broadcast_in_dim3A_492 {strides = array<i32>} : memref<1x1xf32, #tpu.memory_space<vmem>>, vector<1x1xf32>,
    } else {
    }
    %get3A_479 = arith.constant 0 : index
    %get3A_480 = arith.constant 0 : index
    %get3A_481 = vector.load %arg7[%get3A_479, %get3A_480] : memref<1x1xf32, #tpu.memory_space<vmem>>, vector<1x1xf32>
    %reduce_sum3A = vector.shape_cast %select_n3A_469 : vector<1024x1xf32> to vector<1x1024x1xf32>
    %reduce_sum3A_482 = arith.constant dense<0.000000e+00> : vector<1xf32>
    %reduce_sum3A_483 = vector.multi_reduction <add>, %reduce_sum3A, %reduce_sum3A_482 [1, 2] : vector<1x1024x1xf32> to vector<1xf32>
    %reduce_sum3A_484 = vector.shape_cast %reduce_sum3A_483 : vector<1xf32> to vector<1x1x1xf32>
    %reduce_sum3A_485 = vector.extract %reduce_sum3A_484[0, 0, 0] : f32 from vector<1x1x1xf32>
    %broadcast_in_dim3A_486 = vector.broadcast %reduce_sum3A_485 : f32 to vector<1x1xf32>
    %add3A_487 = arith.addf %get3A_481, %broadcast_in_dim3A_486 : vector<1x1xf32>
    %swap3A_488 = arith.constant 0 : index
    %swap3A_489 = arith.constant 0 : index
    %swap3A_490 = vector.load %arg7[%swap3A_488, %swap3A_489] : memref<1x1xf32, #tpu.memory_space<vmem>>, vector<1x1xf32>
    tpu.vector_store %arg7[%swap3A_488, %swap3A_489], %add3A_487 {strides = array<i32>} : memref<1x1xf32, #tpu.memory_space<vmem>>, vector<1x1xf32>,
    return
  }
  func.func @transform_0(%arg0: i32) -> (i32, i32) {
    %c0_i32 = arith.constant 0 : i32
    %c0_i32_0 = arith.constant 0 : i32
    return %arg0, %c0_i32 : i32, i32
  }
  func.func @transform_1(%arg0: i32) -> (i32, i32) {
    %c0_i32 = arith.constant 0 : i32
    %c0_i32_0 = arith.constant 0 : i32
    return %arg0, %c0_i32 : i32, i32
  }
  func.func @transform_2(%arg0: i32) -> (i32, i32) {
    %c0_i32 = arith.constant 0 : i32
    %c0_i32_0 = arith.constant 0 : i32
    %c0_i32_1 = arith.constant 0 : i32
    return %c0_i32, %c0_i32_0 : i32, i32
  }
  func.func @transform_3(%arg0: i32) -> (i32, i32) {
    %c0_i32 = arith.constant 0 : i32
    %c0_i32_0 = arith.constant 0 : i32
    %c0_i32_1 = arith.constant 0 : i32
    return %c0_i32, %c0_i32_0 : i32, i32
  }
  func.func @transform_4(%arg0: i32) -> (i32, i32) {
    %c0_i32 = arith.constant 0 : i32
    %c0_i32_0 = arith.constant 0 : i32
    %c0_i32_1 = arith.constant 0 : i32
    return %c0_i32, %c0_i32_0 : i32, i32
  }
  func.func @transform_5(%arg0: i32) -> (i32, i32, i32) {
    %c0_i32 = arith.constant 0 : i32
    %c0_i32_0 = arith.constant 0 : i32
    %c0_i32_1 = arith.constant 0 : i32
    return %arg0, %c0_i32, %c0_i32_0 : i32, i32, i32
  }
  func.func @transform_6(%arg0: i32) -> (i32, i32) {
    %c0_i32 = arith.constant 0 : i32
    %c0_i32_0 = arith.constant 0 : i32
    %c0_i32_1 = arith.constant 0 : i32
    return %c0_i32, %c0_i32_0 : i32, i32
  }
}

</mosaic_0001>

<sc_bundles>
// kernel: kernel.4.cloned.1.call-start
scs
__scs_entry_jumppad:
0x0: {  	(pc) =	sbr.rel $0x88, $3  }
0x1: {  	(tag) =	ssettag $0x0;
	lr =	simm.s32 $0x1  }
0x2: {  	[smem:$0x3F9F] =	sst lr;
	_ =	strace $0xD0000000  }
0x3: {  	_ = 	snop  }
0x4: {  	_ = 	snop  }
0x5: {  	_ = 	snop  }
0x6: {  	_ = 	snop  }
0x7: {  	_ = 	snop  }
__scs_overlays_trampoline_lowered:
0x8: {  	[smem:$0x3FAE] =	sst s0  }
0x9: {  	[smem:$0x3FAF] =	sst s1  }
0xa: {  	[smem:$0x3FB0] =	sst s2  }
0xb: {  	[smem:$0x3FB1] =	sst s3  }
0xc: {  	[smem:$0x3FB2] =	sst s4  }
0xd: {  	[smem:$0x3FB3] =	sst s5  }
0xe: {  	[smem:$0x3FB4] =	sst s6  }
0xf: {  	[smem:$0x3FB5] =	sst s7  }
0x10: {  	[smem:$0x3FB6] =	sst s8  }
0x11: {  	[smem:$0x3FB7] =	sst s9;
	s0 =	simm.s32 @!p0 $0x0  }
0x12: {  	s1 =	sld [smem:$0x3F9D];
	s0 =	simm.s32 @p0 $0x1  }
0x13: {  	[smem:$0x3FB8] =	sst s0;
	s0 =	simm.s32 @!p1 $0x0  }
0x14: {  	s2 =	sld [smem:$0x3F9C];
	s0 =	simm.s32 @p1 $0x1  }
0x15: {  	[smem:$0x3FB9] =	sst s0;
	s0 =	simm.s32 @!p2 $0x0  }
0x16: {  	s3 =	sld [smem:$0x3FDB];
	s0 =	simm.s32 @p2 $0x1  }
0x17: {  	s4 =	simm.s32 $0x1BF5;
	[smem:$0x3FBB] =	sst s0  }
0x18: {  	s0 =	sld [smem:$0x3F9E];
	_ =	swait.ge [sflag:s4], $0x0  }
0x19: {  	s7 =	sld [smem:$0x3F9F]  }
0x1a: {  	s8 =	sadd.s32 $0xFFFFE003, lr  }
0x1b: {  	s9 =	sadd.s32 $0xFFFFFEF7, lr;
	s5 =	simm.s32 $0xFFFFFFFF;
	p2 =	slt.u32 s8, $0xFFFFF086  }
0x1c: {  	p1 =	slt.u32 s9, $0xF7A;
	s5 =	simm.s32 @!p2 $0x0  }
0x1d: {  	s5 =	simm.s32 @p1 $0x1;
	p0 =	seq.s32 s7, s2  }
0x1e: {  	s7 =	smul.u32 @!p0 $0xF7A, s2;
	p2 =	seq.s32 @!p0 s5, $0x0  }
0x1f: {  	s9 =	smul.u32 $0xF7A, s1;
	s8 =	simm.s32 @!p0 $0x1BF5;
	p2 =	por !p2, p0  }
0x20: {  	[sflag:s8] =	ssyncset.s32 @!p0 $0xFFFFF086;
	s6 =	sadd.s32 @!p0 s3, s7;
	s7 =	simm.s32 @!p0 $0x108  }
0x21: {  	s3 =	sadd.s32 s3, s9;
	s6 =	sadd.s32 @!p0 $0x88, s6;
	s7 =	simm.s32 @p2 $0x1082  }
0x22: {  	[simem:s7], [sflag:s8] =	dma.local @!p0 [hbm:s6], $0xF7A  }
0x23: {  	s9 =	sor.u32 $0xD0000000, s2;
	s6 =	simm.s32 $0x108;
	_ =	swait.ge @!p0 [sflag:s8], $0x0  }
0x24: {  	s3 =	sadd.s32 $0x88, s3;
	s6 =	simm.s32 @!p1 $0x1082;
	[sflag:s4] =	ssyncset.s32 $0xFFFFF086  }
0x25: {  	[simem:s6], [sflag:s4] =	dma.local [hbm:s3], $0xF7A  }
0x26: {  	[smem:$0x3F9F] =	sst s1;
	(tag) =	ssettag s2;
	_ =	strace s9  }
0x27: {  	s1 =	sld [smem:$0x3FAF]  }
0x28: {  	s2 =	sld [smem:$0x3FB0]  }
0x29: {  	s4 =	sld [smem:$0x3FB2]  }
0x2a: {  	p0 =	seq.s32 s5, $0x0;
	s5 =	sld [smem:$0x3FB3]  }
0x2b: {  	s6 =	sld [smem:$0x3FB4]  }
0x2c: {  	s7 =	sld [smem:$0x3FB5]  }
0x2d: {  	s3 =	simm.s32 $0x108;
	s8 =	sld [smem:$0x3FB6]  }
0x2e: {  	s3 =	simm.s32 @!p0 $0x1082;
	s9 =	sld [smem:$0x3FB7]  }
0x2f: {  	lr =	sadd.s32 s0, s3;
	s0 =	sld [smem:$0x3FAE]  }
0x30: {  	s3 =	sld [smem:$0x3FB1]  }
0x31: {  	[smem:$0x3FBA] =	sst s10  }
0x32: {  	s10 =	sld [smem:$0x3FB8];
	_ =	sdelay $0x3  }
0x33: {  	p0 =	seq.s32 s10, $0x1;
	s10 =	sld [smem:$0x3FBA];
	_ =	sdelay $0x3  }
0x34: {  	[smem:$0x3FBA] =	sst s10  }
0x35: {  	s10 =	sld [smem:$0x3FB9];
	_ =	sdelay $0x3  }
0x36: {  	p1 =	seq.s32 s10, $0x1;
	s10 =	sld [smem:$0x3FBA];
	_ =	sdelay $0x3  }
0x37: {  	[smem:$0x3FBA] =	sst s10  }
0x38: {  	s10 =	sld [smem:$0x3FBB]  }
0x39: {  	_ = 	snop;
	(pc) =	sbr.ind lr, $3  }
0x3a: {  	_ = 	snop  }
0x3b: {  	_ = 	snop  }
0x3c: {  	p2 =	seq.s32 s10, $0x1;
	s10 =	sld [smem:$0x3FBA]  }
0x3d: {  	_ =	shalt  }
0x3e: {  	_ =	shalt  }
0x3f: {  	_ =	shalt  }
0x40: {  	_ =	shalt  }
0x41: {  	_ =	shalt  }
0x42: {  	_ =	shalt  }
0x43: {  	_ =	shalt  }
0x44: {  	_ =	shalt  }
0x45: {  	_ =	shalt  }
0x46: {  	_ =	shalt  }
0x47: {  	_ =	shalt  }
0x48: {  	_ =	shalt  }
0x49: {  	_ =	shalt  }
0x4a: {  	_ =	shalt  }
0x4b: {  	_ =	shalt  }
0x4c: {  	_ =	shalt  }
0x4d: {  	_ =	shalt  }
0x4e: {  	_ =	shalt  }
0x4f: {  	_ =	shalt  }
0x50: {  	_ =	shalt  }
0x51: {  	_ =	shalt  }
0x52: {  	_ =	shalt  }
0x53: {  	_ =	shalt  }
0x54: {  	_ =	shalt  }
0x55: {  	_ =	shalt  }
0x56: {  	_ =	shalt  }
0x57: {  	_ =	shalt  }
0x58: {  	_ =	shalt  }
0x59: {  	_ =	shalt  }
0x5a: {  	_ =	shalt  }
0x5b: {  	_ =	shalt  }
0x5c: {  	_ =	shalt  }
0x5d: {  	_ =	shalt  }
0x5e: {  	_ =	shalt  }
0x5f: {  	_ =	shalt  }
0x60: {  	_ =	shalt  }
0x61: {  	_ =	shalt  }
0x62: {  	_ =	shalt  }
0x63: {  	_ =	shalt  }
0x64: {  	_ =	shalt  }
0x65: {  	_ =	shalt  }
0x66: {  	_ =	shalt  }
0x67: {  	_ =	shalt  }
0x68: {  	_ =	shalt  }
0x69: {  	_ =	shalt  }
0x6a: {  	_ =	shalt  }
0x6b: {  	_ =	shalt  }
0x6c: {  	_ =	shalt  }
0x6d: {  	_ =	shalt  }
0x6e: {  	_ =	shalt  }
0x6f: {  	_ =	shalt  }
0x70: {  	_ =	shalt  }
0x71: {  	_ =	shalt  }
0x72: {  	_ =	shalt  }
0x73: {  	_ =	shalt  }
0x74: {  	_ =	shalt  }
0x75: {  	_ =	shalt  }
0x76: {  	_ =	shalt  }
0x77: {  	_ =	shalt  }
0x78: {  	_ =	shalt  }
0x79: {  	_ =	shalt  }
0x7a: {  	_ =	shalt  }
0x7b: {  	_ =	shalt  }
0x7c: {  	_ =	shalt  }
0x7d: {  	_ =	shalt  }
0x7e: {  	_ =	shalt  }
0x7f: {  	_ =	shalt  }
0x80: {  	_ =	shalt  }
0x81: {  	_ =	shalt  }
0x82: {  	_ =	shalt  }
0x83: {  	_ =	shalt  }
0x84: {  	_ =	shalt  }
0x85: {  	_ =	shalt  }
0x86: {  	_ =	shalt  }
0x87: {  	_ =	shalt  }
.Lfunc_end0:
.L_simem_size_0:
called_computation_lowered:
.L_overlay_start_0:
0x88: {  	s2 =	sld [smem:$0x3FD9]  }
0x89: {  	s3 =	sld [smem:$0x3FFE];
	_ =	sdelay $0x1  }
0x8a: {  	s1 =	srdreg.scid  }
0x8b: {  	s0 =	sand.u32 $0x1, s1  }
0x8c: {  	s14 =	sshll.u32 s0, $0xA;
	s2 =	sadd.s32 s3, s2  }
0x8d: {  	s2 =	sadd.s32 s2, s14  }
0x8e: {  	[smem:$0x3FC6] =	sst s2  }
0x8f: {  	_ = 	snop  }
0x90: {  	s2 =	sld [smem:$0x3FD0];
	_ =	sdelay $0x2  }
0x91: {  	s15 =	simm.s32 $0xA;
	s4 =	simm.s32 $0x10  }
0x92: {  	[smem:s4], [sflag:s15] =	dma.local [hbm:s2], $0x1  }
0x93: {  	_ =	swait.eq [sflag:s15], $0x1  }
0x94: {  	[sflag:s15] =	ssyncset.done $0x0  }
0x95: {  	[sflag:s15] =	ssyncadd.s32 $0xFFFFFFFF  }
0x96: {  	s16 =	sld [smem:$0x10];
	(tm) =	ssettm $0x1  }
0x97: {  	s17 =	sld [smem:$0x3FFB];
	_ =	sdelay $0x3  }
0x98: {  	_ =	strace s17  }
0x99: {  	s3 =	sld [smem:$0x3FFC];
	_ =	sdelay $0x3  }
0x9a: {  	_ =	strace s3  }
0x9b: {  	s3 =	sld [smem:$0x3FFD];
	_ =	sdelay $0x3  }
0x9c: {  	_ =	strace s3  }
0x9d: {  	_ =	strace $0x8FFFFFFF  }
0x9e: {  	s18 =	sld [smem:$0x3FDB];
	_ =	sdelay $0x1  }
0x9f: {  	s19 =	simm.s32 $_scs_section_size  }
0xa0: {  	s5 =	simm.s32 $_size__tile_overlayer_lowered;
	s6 =	simm.s32 $_tile_overlayer_lowered  }
0xa1: {  	s22 =	simm.s32 $0x1BFF;
	s21 =	sshll.u32 s6, $0x1;
	s3 =	sadd.s32 s19, s18  }
0xa2: {  	s7 =	simm.s32 $0x0;
	s20 =	sshll.u32 s5, $0x1;
	s5 =	sadd.s32 s21, s3  }
0xa3: {  	[timem:s7], [sflag:s22] =	dma.local [hbm:s5], s20  }
0xa4: {  	_ =	swait.ge [sflag:s22], s20  }
0xa5: {  	s4 =	ssub.s32 $0x0, s20;
	[sflag:s22] =	ssyncset.done $0x0  }
0xa6: {  	[sflag:s22] =	ssyncadd.s32 s4;
	_ =	sdelay $0x1  }
0xa7: {  	s23 =	simm.s32 $0x1B8B  }
0xa8: {  	_ =	swait.ge [sflag:s23], $0x1  }
0xa9: {  	[sflag:s23] =	ssyncset.done $0x0  }
0xaa: {  	s25 =	simm.s32 $0x1B8E;
	s24 =	sld [smem:$0x3FFE];
	[sflag:s23] =	ssyncadd.s32 $0xFFFFFFFF  }
0xab: {  	s26 =	simm.s32 $execute0_lowered;
	[smem:$0x3FD2] =	sst s25  }
0xac: {  	s5 =	sshll.u32 s26, $0x1;
	_ =	strace $0x80000046;
	[dreg:$0x1] =	wrdreg $0xFFFFFFFF  }
0xad: {  	s28 =	simm.s32 $_size_execute0_lowered;
	s3 =	sadd.s32 s3, s5;
	[dreg:$0x0] =	wrdreg $0x0  }
0xae: {  	s5 =	sshll.u32 s28, $0x1;
	[dreg:$0x2] =	wrdreg s3  }
0xaf: {  	[dreg:$0x3] =	wrdreg s5  }
0xb0: {  	[dreg:$0x4] =	wrdreg $0xC0  }
0xb1: {  	_ =	task [dreg:s7], $0x5FFFF  }
0xb2: {  	[dreg:$0x1] =	wrdreg $0xFFFFFFFF  }
0xb3: {  	[dreg:$0x0] =	wrdreg $0x60  }
0xb4: {  	[dreg:$0x2] =	wrdreg s24  }
0xb5: {  	[dreg:$0x3] =	wrdreg s16  }
0xb6: {  	[dreg:$0x4] =	wrdreg $0x9  }
0xb7: {  	_ =	task.clear_ibuf [dreg:s7], $0x5FFFF;
	_ =	strace $0x90000046  }
0xb8: {  	s29 =	simm.s32 $0x9;
	_ =	strace $0x80000048  }
0xb9: {  	_ =	swait.ge [sflag:s29], $0x1  }
0xba: {  	[sflag:s29] =	ssyncadd.s32 $0xFFFFFFFF  }
0xbb: {  	_ =	strace $0x90000048  }
0xbc: {  	_ =	sfence  }
0xbd: {  	s30 =	sld [smem:$0x0];
	_ =	sdelay $0x2  }
0xbe: {  	s31 =	sshll.u32 s1, $0xD;
	s1 =	sshrl.u32 s1, $0x2  }
0xbf: {  	s3 =	sand.u32 $0x4000, s31;
	s1 =	sadd.s32 s1, s30  }
0xc0: {  	s0 =	sor.u32 s3, s0;
	s1 =	sshll.u32 s1, $0x11  }
0xc1: {  	s0 =	sor.u32 s1, s0  }
0xc2: {  	s0 =	sadd.s32 $0x8F2B, s0  }
0xc3: {  	[sflag:s0] =	ssyncadd.remote.s32 $0x1  }
0xc4: {  	_ =	sfence.sel $0xFFFF  }
0xc5: {  	[dreg:$0x0] =	wrdreg $0xFFFFFFFF;
	(pc) =	sbr.abs _section_cstart, $3  }
0xc6: {  	[dreg:$0x1] =	wrdreg $0xFFFFFFFF  }
0xc7: {  	_ =	task.clear_ibuf [dreg:s7], $0x2FFFF;
	_ =	strace $0x9FFFFFFF  }
0xc8: {  	(tm) =	ssettm $0x7FFFFFFF  }
0xc9: {  	_ =	shalt  }
tec
execute0_lowered:
.L_overlay_start_1:
0x0: {  	(tag) =	ssettag $0x1  }
0x1: {  	s1 =	srdreg.scid;
	s0 =	stileid.u32  }
0x2: {  	s18 =	sand.u32 $0x1, s1;
	s30 =	sshll.u32 s0, $0x1  }
0x3: {  	s5 =	rddreg [dreg:$0x0];
	s19 =	sor.u32 s18, s30  }
0x4: {  	s20 =	rddreg [dreg:$0x1];
	s3 =	smul.u32 $0x48, s19  }
0x5: {  	s2 =	simm.s32 $0x0;
	s1 =	rddreg [dreg:$0x2]  }
0x6: {  	[smem:$0x7FF] =	sst s2;
	s3 =	sadd.s32 s3, s5  }
0x7: {  	_ =	strace $0x80000047;
	s4 =	sadd.s32 $0x600, s3;
	s3 =	simm.s32 $0x2  }
0x8: {  	[tilespmem:s2], [sflag:$0x2] =	stream.linear.gather [hbm4b:s4+s2], $0x240, $0x38;
	[tilespmem:$0x9240] =	vst v63  }
0x9: {  	_ =	swait.ge [sflag:s3], $0x240  }
0xa: {  	s6 =	simm.s32 $0x60;
	[sflag:s3] =	ssyncset.done $0x0  }
0xb: {  	s7 =	simm.s32 $0x240;
	s5 =	sadd.s32 $0x48600, s5;
	[sflag:s3] =	ssyncadd.s32 $0xFFFFFDC0  }
0xc: {  	[tilespmem:s7], [sflag:$0x1] =	stream.indirect.gather [hbm4b:s5+s6], $0x40, s2, s6, $0xb8;
	[tilespmem:$0x9240] =	vst v63  }
0xd: {  	s8 =	simm.s32 $0x1A40  }
0xe: {  	[tilespmem:s8], [sflag:$0x1] =	stream.indirect.gather [hbm4b:s5+s6], $0x40, s6, s6, $0xb8;
	[tilespmem:$0x9240] =	vst v63  }
0xf: {  	s9 =	simm.s32 $0xC0;
	s10 =	simm.s32 $0x3240  }
0x10: {  	[tilespmem:s10], [sflag:$0x1] =	stream.indirect.gather [hbm4b:s5+s6], $0x40, s9, s6, $0xb8;
	[tilespmem:$0x9240] =	vst v63  }
0x11: {  	s11 =	simm.s32 $0x120;
	s12 =	simm.s32 $0x4A40  }
0x12: {  	[tilespmem:s12], [sflag:$0x1] =	stream.indirect.gather [hbm4b:s5+s6], $0x40, s11, s6, $0xb8;
	[tilespmem:$0x9240] =	vst v63  }
0x13: {  	s13 =	simm.s32 $0x180;
	s14 =	simm.s32 $0x6240  }
0x14: {  	[tilespmem:s14], [sflag:$0x1] =	stream.indirect.gather [hbm4b:s5+s6], $0x40, s13, s6, $0xb8;
	[tilespmem:$0x9240] =	vst v63  }
0x15: {  	s15 =	simm.s32 $0x1E0;
	s16 =	simm.s32 $0x7A40;
	s17 =	simm.s32 $0x1  }
0x16: {  	[tilespmem:s16], [sflag:$0x1] =	stream.indirect.gather [hbm4b:s5+s6], $0x40, s15, s6, $0xb8;
	[tilespmem:$0x9240] =	vst v63  }
0x17: {  	_ =	swait.ge [sflag:s17], $0x1800  }
0x18: {  	[sflag:s17] =	ssyncset.done $0x0  }
0x19: {  	[sflag:s17] =	ssyncadd.s32 $0xFFFFE800  }
0x1a: {  	_ =	swait.ge [sflag:s17], $0x1800  }
0x1b: {  	[sflag:s17] =	ssyncset.done $0x0  }
0x1c: {  	[sflag:s17] =	ssyncadd.s32 $0xFFFFE800  }
0x1d: {  	_ =	swait.ge [sflag:s17], $0x1800  }
0x1e: {  	[sflag:s17] =	ssyncset.done $0x0  }
0x1f: {  	[sflag:s17] =	ssyncadd.s32 $0xFFFFE800  }
0x20: {  	_ =	swait.ge [sflag:s17], $0x1800  }
0x21: {  	[sflag:s17] =	ssyncset.done $0x0  }
0x22: {  	s18 =	ssub.s32 $0x2, s18;
	[sflag:s17] =	ssyncadd.s32 $0xFFFFE800  }
0x23: {  	s21 =	sshrl.u32 s18, $0x1;
	_ =	swait.ge [sflag:s17], $0x1800  }
0x24: {  	s21 =	ssub.s32 s18, s21;
	[sflag:s17] =	ssyncset.done $0x0  }
0x25: {  	s31 =	smax.u32 s21, $0x1;
	[sflag:s17] =	ssyncadd.s32 $0xFFFFE800  }
0x26: {  	s19 =	smul.u32 $0x1200, s19;
	p0 =	sne.s32 s31, $0x1;
	_ =	swait.ge [sflag:s17], $0x1800  }
.Ltmp0:
0x27: {  	[sflag:s17] =	ssyncset.done $0x0;
	(pc) =	sbr.rel @!p0 .LBB2_2-.Ltmp0, $4  }
0x28: {  	s18 =	sadd.s32 s20, s19;
	[sflag:s17] =	ssyncadd.s32 $0xFFFFE800  }
0x29: {  	[hbm4b:s18+s2] =	stream.linear.scatter [tilespmem:s7], [sflag:$0x2], $0x9000, $0x38;
	[tilespmem:$0x9240] =	vst v63  }
0x2a: {  	_ =	swait.ge [sflag:s3], $0x9000  }
0x2b: {  	s19 =	sadd.s32 $0xFFFFFFFF, s31;
	[sflag:s3] =	ssyncset.done $0x0  }
.LBB2_1:
0x2c: {  	p0 =	sne.s32 s19, $0x1;
	s19 =	sadd.s32 $0xFFFFFFFF, s19;
	[sflag:s3] =	ssyncadd.s32 $0xFFFF7000  }
0x2d: {  	[tilespmem:s2], [sflag:$0x2] =	stream.linear.gather [hbm4b:s4+s2], $0x240, $0x38;
	[tilespmem:$0x9240] =	vst v63  }
0x2e: {  	_ =	swait.ge [sflag:s3], $0x240  }
0x2f: {  	[sflag:s3] =	ssyncset.done $0x0  }
0x30: {  	[sflag:s3] =	ssyncadd.s32 $0xFFFFFDC0  }
0x31: {  	[tilespmem:s7], [sflag:$0x1] =	stream.indirect.gather [hbm4b:s5+s6], $0x40, s2, s6, $0xb8;
	[tilespmem:$0x9240] =	vst v63  }
0x32: {  	_ = 	snop  }
0x33: {  	[tilespmem:s8], [sflag:$0x1] =	stream.indirect.gather [hbm4b:s5+s6], $0x40, s6, s6, $0xb8;
	[tilespmem:$0x9240] =	vst v63  }
0x34: {  	_ = 	snop  }
0x35: {  	[tilespmem:s10], [sflag:$0x1] =	stream.indirect.gather [hbm4b:s5+s6], $0x40, s9, s6, $0xb8;
	[tilespmem:$0x9240] =	vst v63  }
0x36: {  	_ = 	snop  }
0x37: {  	[tilespmem:s12], [sflag:$0x1] =	stream.indirect.gather [hbm4b:s5+s6], $0x40, s11, s6, $0xb8;
	[tilespmem:$0x9240] =	vst v63  }
0x38: {  	_ = 	snop  }
0x39: {  	[tilespmem:s14], [sflag:$0x1] =	stream.indirect.gather [hbm4b:s5+s6], $0x40, s13, s6, $0xb8;
	[tilespmem:$0x9240] =	vst v63  }
0x3a: {  	_ = 	snop  }
0x3b: {  	[tilespmem:s16], [sflag:$0x1] =	stream.indirect.gather [hbm4b:s5+s6], $0x40, s15, s6, $0xb8;
	[tilespmem:$0x9240] =	vst v63  }
0x3c: {  	_ =	swait.ge [sflag:s17], $0x1800  }
0x3d: {  	[sflag:s17] =	ssyncset.done $0x0  }
0x3e: {  	[sflag:s17] =	ssyncadd.s32 $0xFFFFE800  }
0x3f: {  	_ =	swait.ge [sflag:s17], $0x1800  }
0x40: {  	[sflag:s17] =	ssyncset.done $0x0  }
0x41: {  	[sflag:s17] =	ssyncadd.s32 $0xFFFFE800  }
0x42: {  	_ =	swait.ge [sflag:s17], $0x1800  }
0x43: {  	[sflag:s17] =	ssyncset.done $0x0  }
0x44: {  	[sflag:s17] =	ssyncadd.s32 $0xFFFFE800  }
0x45: {  	_ =	swait.ge [sflag:s17], $0x1800  }
0x46: {  	[sflag:s17] =	ssyncset.done $0x0  }
0x47: {  	[sflag:s17] =	ssyncadd.s32 $0xFFFFE800  }
0x48: {  	_ =	swait.ge [sflag:s17], $0x1800  }
0x49: {  	[sflag:s17] =	ssyncset.done $0x0  }
0x4a: {  	[sflag:s17] =	ssyncadd.s32 $0xFFFFE800  }
0x4b: {  	_ =	swait.ge [sflag:s17], $0x1800  }
.Ltmp1:
0x4c: {  	[sflag:s17] =	ssyncset.done $0x0;
	(pc) =	sbr.rel @p0 .LBB2_1-.Ltmp1, $4  }
0x4d: {  	[sflag:s17] =	ssyncadd.s32 $0xFFFFE800  }
0x4e: {  	[hbm4b:s18+s2] =	stream.linear.scatter [tilespmem:s7], [sflag:$0x2], $0x9000, $0x38;
	[tilespmem:$0x9240] =	vst v63  }
0x4f: {  	_ =	swait.ge [sflag:s3], $0x9000  }
0x50: {  	[sflag:s3] =	ssyncset.done $0x0  }
.LBB2_2:
0x51: {  	[sflag:s3] =	ssyncadd.s32 $0xFFFF7000  }
0x52: {  	_ =	sfence.sel $0x180000  }
0x53: {  	[bflag:$0x0] =	sbarrier.arrive $0xFFFF  }
0x54: {  	p0 =	sne.s32 s0, $0x0;
	_ =	strace $0x90000047  }
0x55: {  	s0 =	sadd.s32 @!p0 $0x100000, s1;
	[bflag:$0x2] =	sbarrier.arrive $0xFFFF  }
0x56: {  	[sflag:s0] =	ssyncadd.tile.s32 @!p0 $0x1;
	_ =	shalt  }
.Lfunc_end2:
_tile_overlayer_lowered:
.L_overlay_start_2:
0x57: {  	(tag) =	ssettag $0x2  }
0x58: {  	s0 =	rddreg [dreg:$0x0];
	s2 =	stileid.u32  }
0x59: {  	s1 =	rddreg [dreg:$0x1];
	p0 =	sne.s32 s2, $0x0  }
0x5a: {  	s3 =	rddreg [dreg:$0x2];
	[bflag:$0x3] =	sbarrier.arrive $0xFFFF;
	s2 =	simm.s32 @!p0 $0x1C02  }
0x5b: {  	[timem:s3], [sflag:s2] =	dma.local @!p0 [hbm:s0], s1  }
0x5c: {  	s0 =	simm.s32 @!p0 $0x2  }
0x5d: {  	_ =	swait.ge @!p0 [sflag:s0], s1  }
0x5e: {  	s1 =	ssub.s32 @!p0 $0x0, s1;
	[sflag:s0] =	ssyncset.done @!p0 $0x0  }
0x5f: {  	[sflag:s0] =	ssyncadd.s32 @!p0 s1  }
0x60: {  	[bflag:$0x3] =	sbarrier.arrive $0xFFFF  }
0x61: {  	_ =	shalt  }

</sc_bundles>
